<compile_context>
chip_gen: v7x
topology: tpu7x:2x2x1
jax: 0.10.2.dev20260603
libtpu: 0.0.44.dev20260713+nightly
codegen_flags: <defaults>
</compile_context>

<pallas_src>
import functools

import jax
import jax.numpy as jnp
from jax import lax
from jax.experimental import pallas as pl
from jax.experimental.pallas import tpu as pltpu
from jax.experimental.pallas import tpu_sc as plsc

N_VERT = 10000
N_HE = 320000
D = 128

NC = 2
NS = 16
NW = NC * NS
HE_PER_W = N_HE // NW
CH = 120
NV = HE_PER_W // CH
TAIL = HE_PER_W - NV * CH
TAIL_OFF = NV * CH
NBUF = 3
G = 80
V_CHUNKS = N_VERT // G
RR = (V_CHUNKS + NS - 1) // NS


def _sc_partial_sums(x, idx4, idx_t, zrows):
    mesh = plsc.VectorSubcoreMesh(core_axis_name="c", subcore_axis_name="s")

    @functools.partial(
        pl.kernel,
        out_type=jax.ShapeDtypeStruct((NC, N_VERT, D), jnp.float32),
        mesh=mesh,
        scratch_types=[
            [pltpu.VMEM((1, CH), jnp.int32) for _ in range(NBUF)],
            pltpu.VMEM((1, TAIL), jnp.int32),
            [pltpu.VMEM((CH, D), jnp.float32) for _ in range(NBUF)],
            pltpu.VMEM_SHARED((N_VERT, D), jnp.float32),
            [pltpu.SemaphoreType.DMA for _ in range(NBUF)],
            [pltpu.SemaphoreType.DMA for _ in range(NBUF)],
        ],
    )
    def k(x_hbm, idx_hbm, idxt_hbm, z_hbm, out_hbm,
          icb, itb, bufs, acc, gsems, isems):
        c = lax.axis_index("c")
        s = lax.axis_index("s")
        wid = c * NS + s
        he_base = wid * HE_PER_W

        def gather(v, b):
            pltpu.async_copy(
                x_hbm.at[pl.ds(he_base + v * CH, CH)], bufs[b], gsems[b])
            pltpu.async_copy(idx_hbm.at[wid, v], icb[b], isems[b])

        def wait_gather(b):
            pltpu.make_async_copy(
                x_hbm.at[pl.ds(0, CH)], bufs[b], gsems[b]).wait()
            pltpu.make_async_copy(idx_hbm.at[wid, 0], icb[b], isems[b]).wait()

        def scatter(b):
            pltpu.sync_copy(bufs[b], acc.at[icb[b].at[0]], add=True)

        pltpu.sync_copy(idxt_hbm.at[wid], itb)
        pltpu.sync_copy(z_hbm, bufs[0].at[pl.ds(0, G)])
        gather(1, 1)
        gather(2, 2)

        for j in range(RR):
            cid = s + j * NS

            @pl.when(cid < V_CHUNKS)
            def _():
                pltpu.sync_copy(bufs[0].at[pl.ds(0, G)],
                                acc.at[pl.ds(cid * G, G)])
        plsc.subcore_barrier()

        gather(0, 0)

        def visit(v, b):
            @pl.when(v < NV)
            def _():
                wait_gather(b)
                scatter(b)

                @pl.when(v + NBUF < NV)
                def _():
                    gather(v + NBUF, b)

        def tri_body(i, _):
            for b in range(NBUF):
                visit(NBUF * i + b, b)
            return 0

        lax.fori_loop(0, (NV + NBUF - 1) // NBUF, tri_body, 0)
        pltpu.sync_copy(x_hbm.at[pl.ds(he_base + TAIL_OFF, TAIL)],
                        bufs[0].at[pl.ds(0, TAIL)])
        pltpu.sync_copy(bufs[0].at[pl.ds(0, TAIL)],
                        acc.at[itb.at[0]], add=True)
        plsc.subcore_barrier()

        for j in range(RR):
            cid = s + j * NS

            @pl.when(cid < V_CHUNKS)
            def _():
                pltpu.sync_copy(acc.at[pl.ds(cid * G, G)],
                                out_hbm.at[c, pl.ds(cid * G, G)])

    return k(x, idx4, idx_t, zrows)


def _combine_body(p_ref, v_ref, o_ref):
    o_ref[...] = (p_ref[0] + p_ref[1]) / v_ref[...]


def _combine(partials, valence):
    rb = 5000
    grid = N_VERT // rb
    return pl.pallas_call(
        _combine_body,
        grid=(grid,),
        in_specs=[
            pl.BlockSpec((NC, rb, D), lambda i: (0, i, 0)),
            pl.BlockSpec((rb, 1), lambda i: (i, 0)),
        ],
        out_specs=pl.BlockSpec((rb, D), lambda i: (i, 0)),
        out_shape=jax.ShapeDtypeStruct((N_VERT, D), jnp.float32),
    )(partials, valence.reshape(N_VERT, 1))


def kernel(x, half_edge_src, vertex_valence):
    idx_all = half_edge_src.astype(jnp.int32).reshape(NW, HE_PER_W)
    idx4 = idx_all[:, :TAIL_OFF].reshape(NW, NV, 1, CH)
    idx_t = idx_all[:, TAIL_OFF:].reshape(NW, 1, TAIL)
    zrows = jnp.zeros((G, D), jnp.float32)
    partials = _sc_partial_sums(x, idx4, idx_t, zrows)
    return _combine(partials, vertex_valence)

# --- scband reference (transcript-rebuilt; emitter-appended) ---
"""Pipeline reference for scband-halfedge-to-vertex-layer-20736102105650 (READ-ONLY COPY).

The authoritative reference and input builder live on the scoring server;
editing this copy changes nothing except your own understanding.
"""

import jax, jax.numpy as jnp
import numpy as np

N_VERTICES = 10000
N_HALFEDGES = 320000
D_FEAT = 128


def setup_inputs(seed: int = 0) -> dict:
    key = jax.random.key(seed)
    k1, k2, k3 = jax.random.split(key, 3)
    x = jax.random.normal(k1, (N_HALFEDGES, D_FEAT), dtype=jnp.float32)
    # from-vertex id of each half-edge (he.O().vertex.id in the torch code)
    half_edge_src = jnp.sort(jax.random.randint(k2, (N_HALFEDGES,), 0, N_VERTICES, dtype=jnp.int64))
    # per-vertex valence (vertices[i].valence in the torch code)
    vertex_valence = jax.random.uniform(k3, (N_VERTICES,), dtype=jnp.float32)
    return {"x": x, "half_edge_src": half_edge_src, "vertex_valence": vertex_valence}


def reference(x, half_edge_src, vertex_valence):
    # Loop 1 in the torch module: out[src[i]] += x[i]  -> scatter-add / segment_sum
    n_vertices = vertex_valence.shape[0]
    out = jax.ops.segment_sum(x, half_edge_src, num_segments=n_vertices)
    # Loop 2: out[i] = out[i] / vertices[i].valence
    out = out / vertex_valence[:, None]
    return out

if __name__ == "__main__":
    import jax
    _d = setup_inputs()
    print(jax.jit(kernel)(*tuple(_d.values())))

</pallas_src>

<mosaic_0001>
#map = affine_map<(d0, d1) -> (0, 0)>
#map1 = affine_map<(d0, d1) -> (0, 0, 0, 0)>
#map2 = affine_map<(d0, d1) -> (0, 0, 0)>
module attributes {stable_mosaic.version = 14 : i64} {
  func.func @k(%arg0: i32, %arg1: i32, %arg2: memref<320000x128xf32, #tpu.memory_space<hbm>>, %arg3: memref<32x83x1x120xi32, #tpu.memory_space<hbm>>, %arg4: memref<32x1x40xi32, #tpu.memory_space<hbm>>, %arg5: memref<80x128xf32, #tpu.memory_space<hbm>>, %arg6: memref<2x10000x128xf32, #tpu.memory_space<hbm>>, %arg7: memref<1x120xi32, #tpu.memory_space<vmem>>, %arg8: memref<1x120xi32, #tpu.memory_space<vmem>>, %arg9: memref<1x120xi32, #tpu.memory_space<vmem>>, %arg10: memref<1x40xi32, #tpu.memory_space<vmem>>, %arg11: memref<120x128xf32, #tpu.memory_space<vmem>>, %arg12: memref<120x128xf32, #tpu.memory_space<vmem>>, %arg13: memref<120x128xf32, #tpu.memory_space<vmem>>, %arg14: memref<10000x128xf32, #tpu.memory_space<vmem_shared>>, %arg15: memref<!tpu.dma_semaphore, #tpu.memory_space<semaphore_mem>>, %arg16: memref<!tpu.dma_semaphore, #tpu.memory_space<semaphore_mem>>, %arg17: memref<!tpu.dma_semaphore, #tpu.memory_space<semaphore_mem>>, %arg18: memref<!tpu.dma_semaphore, #tpu.memory_space<semaphore_mem>>, %arg19: memref<!tpu.dma_semaphore, #tpu.memory_space<semaphore_mem>>, %arg20: memref<!tpu.dma_semaphore, #tpu.memory_space<semaphore_mem>>) attributes {dimension_semantics = [#tpu.dimension_semantics<core_parallel>, #tpu.dimension_semantics<subcore_parallel>], iteration_bounds = array<i64: 2, 16>, scalar_prefetch = 0 : i64, scratch_operands = 14 : i64, tpu.core_type = #tpu.core_type<sc_vector_subcore>, window_params = [{transform_indices = #map}, {transform_indices = #map1}, {transform_indices = #map2}, {transform_indices = #map}, {transform_indices = #map2}]} {
    %mul3A = arith.constant 16 : i32
    %mul3A_0 = arith.muli %arg0, %mul3A : i32
    %add3A = arith.addi %mul3A_0, %arg1 : i32
    %mul3A_1 = arith.constant 10000 : i32
    %mul3A_2 = arith.muli %add3A, %mul3A_1 : i32
    "tpu.region"() ({
      %run_scoped3A_165 = tpu.sem_alloc : memref<!tpu.dma_semaphore, #tpu.memory_space<semaphore_mem>>
      %dma_start3A_166 = arith.constant 0 : i32
      %dma_start3A_167 = arith.constant 0 : i32
      %dma_start3A_168 = tpu.memref_slice %arg4[%add3A, %dma_start3A_166, %dma_start3A_167] : memref<32x1x40xi32, #tpu.memory_space<hbm>> -> memref<1x1x40xi32, #tpu.memory_space<hbm>>
      %dma_start3A_169 = tpu.memref_squeeze %dma_start3A_168 : memref<1x1x40xi32, #tpu.memory_space<hbm>> -> memref<1x40xi32, #tpu.memory_space<hbm>>
      %dma_start3A_170 = arith.constant 0 : i32
      %dma_start3A_171 = arith.constant 0 : i32
      %dma_start3A_172 = tpu.memref_slice %arg4[%add3A, %dma_start3A_170, %dma_start3A_171] : memref<32x1x40xi32, #tpu.memory_space<hbm>> -> memref<1x1x40xi32, #tpu.memory_space<hbm>>
      %dma_start3A_173 = tpu.memref_squeeze %dma_start3A_172 : memref<1x1x40xi32, #tpu.memory_space<hbm>> -> memref<1x40xi32, #tpu.memory_space<hbm>>
      tpu.enqueue_dma source(%dma_start3A_173 : memref<1x40xi32, #tpu.memory_space<hbm>>) target(%arg10 : memref<1x40xi32, #tpu.memory_space<vmem>>) target_semaphore(%run_scoped3A_165 : memref<!tpu.dma_semaphore, #tpu.memory_space<semaphore_mem>>)
      %dma_wait3A = arith.constant 0 : i32
      %dma_wait3A_174 = arith.constant 0 : i32
      %dma_wait3A_175 = tpu.memref_slice %arg4[%add3A, %dma_wait3A, %dma_wait3A_174] : memref<32x1x40xi32, #tpu.memory_space<hbm>> -> memref<1x1x40xi32, #tpu.memory_space<hbm>>
      %dma_wait3A_176 = tpu.memref_squeeze %dma_wait3A_175 : memref<1x1x40xi32, #tpu.memory_space<hbm>> -> memref<1x40xi32, #tpu.memory_space<hbm>>
      %dma_wait3A_177 = arith.constant 0 : i32
      %dma_wait3A_178 = arith.constant 0 : i32
      %dma_wait3A_179 = tpu.memref_slice %arg4[%add3A, %dma_wait3A_177, %dma_wait3A_178] : memref<32x1x40xi32, #tpu.memory_space<hbm>> -> memref<1x1x40xi32, #tpu.memory_space<hbm>>
      %dma_wait3A_180 = tpu.memref_squeeze %dma_wait3A_179 : memref<1x1x40xi32, #tpu.memory_space<hbm>> -> memref<1x40xi32, #tpu.memory_space<hbm>>
      tpu.wait_dma2 semaphore(%run_scoped3A_165 : memref<!tpu.dma_semaphore, #tpu.memory_space<semaphore_mem>>) src(%dma_wait3A_180 : memref<1x40xi32, #tpu.memory_space<hbm>>) dst(%arg10 : memref<1x40xi32, #tpu.memory_space<vmem>>)
      tpu.yield
    }) : () -> ()
    "tpu.region"() ({
      %run_scoped3A_165 = tpu.sem_alloc : memref<!tpu.dma_semaphore, #tpu.memory_space<semaphore_mem>>
      %dma_start3A_166 = arith.constant 0 : i32
      %dma_start3A_167 = arith.constant 0 : i32
      %dma_start3A_168 = tpu.memref_slice %arg11[%dma_start3A_166, %dma_start3A_167] : memref<120x128xf32, #tpu.memory_space<vmem>> -> memref<80x128xf32, #tpu.memory_space<vmem>>
      %dma_start3A_169 = arith.constant 0 : i32
      %dma_start3A_170 = arith.constant 0 : i32
      %dma_start3A_171 = tpu.memref_slice %arg11[%dma_start3A_169, %dma_start3A_170] : memref<120x128xf32, #tpu.memory_space<vmem>> -> memref<80x128xf32, #tpu.memory_space<vmem>>
      tpu.enqueue_dma source(%arg5 : memref<80x128xf32, #tpu.memory_space<hbm>>) target(%dma_start3A_171 : memref<80x128xf32, #tpu.memory_space<vmem>>) target_semaphore(%run_scoped3A_165 : memref<!tpu.dma_semaphore, #tpu.memory_space<semaphore_mem>>)
      %dma_wait3A = arith.constant 0 : i32
      %dma_wait3A_172 = arith.constant 0 : i32
      %dma_wait3A_173 = tpu.memref_slice %arg11[%dma_wait3A, %dma_wait3A_172] : memref<120x128xf32, #tpu.memory_space<vmem>> -> memref<80x128xf32, #tpu.memory_space<vmem>>
      %dma_wait3A_174 = arith.constant 0 : i32
      %dma_wait3A_175 = arith.constant 0 : i32
      %dma_wait3A_176 = tpu.memref_slice %arg11[%dma_wait3A_174, %dma_wait3A_175] : memref<120x128xf32, #tpu.memory_space<vmem>> -> memref<80x128xf32, #tpu.memory_space<vmem>>
      tpu.wait_dma2 semaphore(%run_scoped3A_165 : memref<!tpu.dma_semaphore, #tpu.memory_space<semaphore_mem>>) src(%arg5 : memref<80x128xf32, #tpu.memory_space<hbm>>) dst(%dma_wait3A_176 : memref<80x128xf32, #tpu.memory_space<vmem>>)
      tpu.yield
    }) : () -> ()
    %add3A_3 = arith.constant 120 : i32
    %add3A_4 = arith.addi %mul3A_2, %add3A_3 : i32
    %dma_start3A = arith.constant 0 : i32
    %dma_start3A_5 = tpu.memref_slice %arg2[%add3A_4, %dma_start3A] : memref<320000x128xf32, #tpu.memory_space<hbm>> -> memref<120x128xf32, #tpu.memory_space<hbm>>
    %dma_start3A_6 = arith.constant 0 : i32
    %dma_start3A_7 = tpu.memref_slice %arg2[%add3A_4, %dma_start3A_6] : memref<320000x128xf32, #tpu.memory_space<hbm>> -> memref<120x128xf32, #tpu.memory_space<hbm>>
    tpu.enqueue_dma source(%dma_start3A_7 : memref<120x128xf32, #tpu.memory_space<hbm>>) target(%arg12 : memref<120x128xf32, #tpu.memory_space<vmem>>) target_semaphore(%arg16 : memref<!tpu.dma_semaphore, #tpu.memory_space<semaphore_mem>>)
    %dma_start3A_8 = arith.constant 1 : i32
    %dma_start3A_9 = arith.constant 0 : i32
    %dma_start3A_10 = arith.constant 0 : i32
    %dma_start3A_11 = tpu.memref_slice %arg3[%add3A, %dma_start3A_8, %dma_start3A_9, %dma_start3A_10] : memref<32x83x1x120xi32, #tpu.memory_space<hbm>> -> memref<1x1x1x120xi32, #tpu.memory_space<hbm>>
    %dma_start3A_12 = tpu.memref_squeeze %dma_start3A_11 : memref<1x1x1x120xi32, #tpu.memory_space<hbm>> -> memref<1x120xi32, #tpu.memory_space<hbm>>
    %dma_start3A_13 = arith.constant 0 : i32
    %dma_start3A_14 = arith.constant 0 : i32
    %dma_start3A_15 = tpu.memref_slice %arg3[%add3A, %dma_start3A_8, %dma_start3A_13, %dma_start3A_14] : memref<32x83x1x120xi32, #tpu.memory_space<hbm>> -> memref<1x1x1x120xi32, #tpu.memory_space<hbm>>
    %dma_start3A_16 = tpu.memref_squeeze %dma_start3A_15 : memref<1x1x1x120xi32, #tpu.memory_space<hbm>> -> memref<1x120xi32, #tpu.memory_space<hbm>>
    tpu.enqueue_dma source(%dma_start3A_16 : memref<1x120xi32, #tpu.memory_space<hbm>>) target(%arg8 : memref<1x120xi32, #tpu.memory_space<vmem>>) target_semaphore(%arg19 : memref<!tpu.dma_semaphore, #tpu.memory_space<semaphore_mem>>)
    %add3A_17 = arith.constant 240 : i32
    %add3A_18 = arith.addi %mul3A_2, %add3A_17 : i32
    %dma_start3A_19 = arith.constant 0 : i32
    %dma_start3A_20 = tpu.memref_slice %arg2[%add3A_18, %dma_start3A_19] : memref<320000x128xf32, #tpu.memory_space<hbm>> -> memref<120x128xf32, #tpu.memory_space<hbm>>
    %dma_start3A_21 = arith.constant 0 : i32
    %dma_start3A_22 = tpu.memref_slice %arg2[%add3A_18, %dma_start3A_21] : memref<320000x128xf32, #tpu.memory_space<hbm>> -> memref<120x128xf32, #tpu.memory_space<hbm>>
    tpu.enqueue_dma source(%dma_start3A_22 : memref<120x128xf32, #tpu.memory_space<hbm>>) target(%arg13 : memref<120x128xf32, #tpu.memory_space<vmem>>) target_semaphore(%arg17 : memref<!tpu.dma_semaphore, #tpu.memory_space<semaphore_mem>>)
    %dma_start3A_23 = arith.constant 2 : i32
    %dma_start3A_24 = arith.constant 0 : i32
    %dma_start3A_25 = arith.constant 0 : i32
    %dma_start3A_26 = tpu.memref_slice %arg3[%add3A, %dma_start3A_23, %dma_start3A_24, %dma_start3A_25] : memref<32x83x1x120xi32, #tpu.memory_space<hbm>> -> memref<1x1x1x120xi32, #tpu.memory_space<hbm>>
    %dma_start3A_27 = tpu.memref_squeeze %dma_start3A_26 : memref<1x1x1x120xi32, #tpu.memory_space<hbm>> -> memref<1x120xi32, #tpu.memory_space<hbm>>
    %dma_start3A_28 = arith.constant 0 : i32
    %dma_start3A_29 = arith.constant 0 : i32
    %dma_start3A_30 = tpu.memref_slice %arg3[%add3A, %dma_start3A_23, %dma_start3A_28, %dma_start3A_29] : memref<32x83x1x120xi32, #tpu.memory_space<hbm>> -> memref<1x1x1x120xi32, #tpu.memory_space<hbm>>
    %dma_start3A_31 = tpu.memref_squeeze %dma_start3A_30 : memref<1x1x1x120xi32, #tpu.memory_space<hbm>> -> memref<1x120xi32, #tpu.memory_space<hbm>>
    tpu.enqueue_dma source(%dma_start3A_31 : memref<1x120xi32, #tpu.memory_space<hbm>>) target(%arg9 : memref<1x120xi32, #tpu.memory_space<vmem>>) target_semaphore(%arg20 : memref<!tpu.dma_semaphore, #tpu.memory_space<semaphore_mem>>)
    %add3A_32 = arith.constant 0 : i32
    %add3A_33 = arith.addi %arg1, %add3A_32 : i32
    %lt3A = arith.constant 125 : i32
    %lt3A_34 = arith.cmpi slt, %add3A_33, %lt3A : i32
    %convert_element_type3A = arith.extui %lt3A_34 : i1 to i32
    %cond3A = arith.constant 0 : i32
    %cond3A_35 = arith.cmpi ne, %convert_element_type3A, %cond3A : i32
    scf.if %cond3A_35 {
      %mul3A_165 = arith.constant 80 : i32
      %mul3A_166 = arith.muli %add3A_33, %mul3A_165 : i32
      "tpu.region"() ({
        %run_scoped3A_167 = tpu.sem_alloc : memref<!tpu.dma_semaphore, #tpu.memory_space<semaphore_mem>>
        %dma_start3A_168 = arith.constant 0 : i32
        %dma_start3A_169 = arith.constant 0 : i32
        %dma_start3A_170 = tpu.memref_slice %arg11[%dma_start3A_168, %dma_start3A_169] : memref<120x128xf32, #tpu.memory_space<vmem>> -> memref<80x128xf32, #tpu.memory_space<vmem>>
        %dma_start3A_171 = arith.constant 0 : i32
        %dma_start3A_172 = tpu.memref_slice %arg14[%mul3A_166, %dma_start3A_171] : memref<10000x128xf32, #tpu.memory_space<vmem_shared>> -> memref<80x128xf32, #tpu.memory_space<vmem_shared>>
        %dma_start3A_173 = arith.constant 0 : i32
        %dma_start3A_174 = tpu.memref_slice %arg14[%mul3A_166, %dma_start3A_173] : memref<10000x128xf32, #tpu.memory_space<vmem_shared>> -> memref<80x128xf32, #tpu.memory_space<vmem_shared>>
        %dma_start3A_175 = arith.constant 0 : i32
        %dma_start3A_176 = arith.constant 0 : i32
        %dma_start3A_177 = tpu.memref_slice %arg11[%dma_start3A_175, %dma_start3A_176] : memref<120x128xf32, #tpu.memory_space<vmem>> -> memref<80x128xf32, #tpu.memory_space<vmem>>
        tpu.enqueue_dma source(%dma_start3A_177 : memref<80x128xf32, #tpu.memory_space<vmem>>) target(%dma_start3A_174 : memref<80x128xf32, #tpu.memory_space<vmem_shared>>) target_semaphore(%run_scoped3A_167 : memref<!tpu.dma_semaphore, #tpu.memory_space<semaphore_mem>>)
        %dma_wait3A = arith.constant 0 : i32
        %dma_wait3A_178 = arith.constant 0 : i32
        %dma_wait3A_179 = tpu.memref_slice %arg11[%dma_wait3A, %dma_wait3A_178] : memref<120x128xf32, #tpu.memory_space<vmem>> -> memref<80x128xf32, #tpu.memory_space<vmem>>
        %dma_wait3A_180 = arith.constant 0 : i32
        %dma_wait3A_181 = tpu.memref_slice %arg14[%mul3A_166, %dma_wait3A_180] : memref<10000x128xf32, #tpu.memory_space<vmem_shared>> -> memref<80x128xf32, #tpu.memory_space<vmem_shared>>
        %dma_wait3A_182 = arith.constant 0 : i32
        %dma_wait3A_183 = tpu.memref_slice %arg14[%mul3A_166, %dma_wait3A_182] : memref<10000x128xf32, #tpu.memory_space<vmem_shared>> -> memref<80x128xf32, #tpu.memory_space<vmem_shared>>
        %dma_wait3A_184 = arith.constant 0 : i32
        %dma_wait3A_185 = arith.constant 0 : i32
        %dma_wait3A_186 = tpu.memref_slice %arg11[%dma_wait3A_184, %dma_wait3A_185] : memref<120x128xf32, #tpu.memory_space<vmem>> -> memref<80x128xf32, #tpu.memory_space<vmem>>
        tpu.wait_dma2 semaphore(%run_scoped3A_167 : memref<!tpu.dma_semaphore, #tpu.memory_space<semaphore_mem>>) src(%dma_wait3A_186 : memref<80x128xf32, #tpu.memory_space<vmem>>) dst(%dma_wait3A_183 : memref<80x128xf32, #tpu.memory_space<vmem_shared>>)
        tpu.yield
      }) : () -> ()
    } else {
    }
    %add3A_36 = arith.constant 16 : i32
    %add3A_37 = arith.addi %arg1, %add3A_36 : i32
    %lt3A_38 = arith.constant 125 : i32
    %lt3A_39 = arith.cmpi slt, %add3A_37, %lt3A_38 : i32
    %convert_element_type3A_40 = arith.extui %lt3A_39 : i1 to i32
    %cond3A_41 = arith.constant 0 : i32
    %cond3A_42 = arith.cmpi ne, %convert_element_type3A_40, %cond3A_41 : i32
    scf.if %cond3A_42 {
      %mul3A_165 = arith.constant 80 : i32
      %mul3A_166 = arith.muli %add3A_37, %mul3A_165 : i32
      "tpu.region"() ({
        %run_scoped3A_167 = tpu.sem_alloc : memref<!tpu.dma_semaphore, #tpu.memory_space<semaphore_mem>>
        %dma_start3A_168 = arith.constant 0 : i32
        %dma_start3A_169 = arith.constant 0 : i32
        %dma_start3A_170 = tpu.memref_slice %arg11[%dma_start3A_168, %dma_start3A_169] : memref<120x128xf32, #tpu.memory_space<vmem>> -> memref<80x128xf32, #tpu.memory_space<vmem>>
        %dma_start3A_171 = arith.constant 0 : i32
        %dma_start3A_172 = tpu.memref_slice %arg14[%mul3A_166, %dma_start3A_171] : memref<10000x128xf32, #tpu.memory_space<vmem_shared>> -> memref<80x128xf32, #tpu.memory_space<vmem_shared>>
        %dma_start3A_173 = arith.constant 0 : i32
        %dma_start3A_174 = tpu.memref_slice %arg14[%mul3A_166, %dma_start3A_173] : memref<10000x128xf32, #tpu.memory_space<vmem_shared>> -> memref<80x128xf32, #tpu.memory_space<vmem_shared>>
        %dma_start3A_175 = arith.constant 0 : i32
        %dma_start3A_176 = arith.constant 0 : i32
        %dma_start3A_177 = tpu.memref_slice %arg11[%dma_start3A_175, %dma_start3A_176] : memref<120x128xf32, #tpu.memory_space<vmem>> -> memref<80x128xf32, #tpu.memory_space<vmem>>
        tpu.enqueue_dma source(%dma_start3A_177 : memref<80x128xf32, #tpu.memory_space<vmem>>) target(%dma_start3A_174 : memref<80x128xf32, #tpu.memory_space<vmem_shared>>) target_semaphore(%run_scoped3A_167 : memref<!tpu.dma_semaphore, #tpu.memory_space<semaphore_mem>>)
        %dma_wait3A = arith.constant 0 : i32
        %dma_wait3A_178 = arith.constant 0 : i32
        %dma_wait3A_179 = tpu.memref_slice %arg11[%dma_wait3A, %dma_wait3A_178] : memref<120x128xf32, #tpu.memory_space<vmem>> -> memref<80x128xf32, #tpu.memory_space<vmem>>
        %dma_wait3A_180 = arith.constant 0 : i32
        %dma_wait3A_181 = tpu.memref_slice %arg14[%mul3A_166, %dma_wait3A_180] : memref<10000x128xf32, #tpu.memory_space<vmem_shared>> -> memref<80x128xf32, #tpu.memory_space<vmem_shared>>
        %dma_wait3A_182 = arith.constant 0 : i32
        %dma_wait3A_183 = tpu.memref_slice %arg14[%mul3A_166, %dma_wait3A_182] : memref<10000x128xf32, #tpu.memory_space<vmem_shared>> -> memref<80x128xf32, #tpu.memory_space<vmem_shared>>
        %dma_wait3A_184 = arith.constant 0 : i32
        %dma_wait3A_185 = arith.constant 0 : i32
        %dma_wait3A_186 = tpu.memref_slice %arg11[%dma_wait3A_184, %dma_wait3A_185] : memref<120x128xf32, #tpu.memory_space<vmem>> -> memref<80x128xf32, #tpu.memory_space<vmem>>
        tpu.wait_dma2 semaphore(%run_scoped3A_167 : memref<!tpu.dma_semaphore, #tpu.memory_space<semaphore_mem>>) src(%dma_wait3A_186 : memref<80x128xf32, #tpu.memory_space<vmem>>) dst(%dma_wait3A_183 : memref<80x128xf32, #tpu.memory_space<vmem_shared>>)
        tpu.yield
      }) : () -> ()
    } else {
    }
    %add3A_43 = arith.constant 32 : i32
    %add3A_44 = arith.addi %arg1, %add3A_43 : i32
    %lt3A_45 = arith.constant 125 : i32
    %lt3A_46 = arith.cmpi slt, %add3A_44, %lt3A_45 : i32
    %convert_element_type3A_47 = arith.extui %lt3A_46 : i1 to i32
    %cond3A_48 = arith.constant 0 : i32
    %cond3A_49 = arith.cmpi ne, %convert_element_type3A_47, %cond3A_48 : i32
    scf.if %cond3A_49 {
      %mul3A_165 = arith.constant 80 : i32
      %mul3A_166 = arith.muli %add3A_44, %mul3A_165 : i32
      "tpu.region"() ({
        %run_scoped3A_167 = tpu.sem_alloc : memref<!tpu.dma_semaphore, #tpu.memory_space<semaphore_mem>>
        %dma_start3A_168 = arith.constant 0 : i32
        %dma_start3A_169 = arith.constant 0 : i32
        %dma_start3A_170 = tpu.memref_slice %arg11[%dma_start3A_168, %dma_start3A_169] : memref<120x128xf32, #tpu.memory_space<vmem>> -> memref<80x128xf32, #tpu.memory_space<vmem>>
        %dma_start3A_171 = arith.constant 0 : i32
        %dma_start3A_172 = tpu.memref_slice %arg14[%mul3A_166, %dma_start3A_171] : memref<10000x128xf32, #tpu.memory_space<vmem_shared>> -> memref<80x128xf32, #tpu.memory_space<vmem_shared>>
        %dma_start3A_173 = arith.constant 0 : i32
        %dma_start3A_174 = tpu.memref_slice %arg14[%mul3A_166, %dma_start3A_173] : memref<10000x128xf32, #tpu.memory_space<vmem_shared>> -> memref<80x128xf32, #tpu.memory_space<vmem_shared>>
        %dma_start3A_175 = arith.constant 0 : i32
        %dma_start3A_176 = arith.constant 0 : i32
        %dma_start3A_177 = tpu.memref_slice %arg11[%dma_start3A_175, %dma_start3A_176] : memref<120x128xf32, #tpu.memory_space<vmem>> -> memref<80x128xf32, #tpu.memory_space<vmem>>
        tpu.enqueue_dma source(%dma_start3A_177 : memref<80x128xf32, #tpu.memory_space<vmem>>) target(%dma_start3A_174 : memref<80x128xf32, #tpu.memory_space<vmem_shared>>) target_semaphore(%run_scoped3A_167 : memref<!tpu.dma_semaphore, #tpu.memory_space<semaphore_mem>>)
        %dma_wait3A = arith.constant 0 : i32
        %dma_wait3A_178 = arith.constant 0 : i32
        %dma_wait3A_179 = tpu.memref_slice %arg11[%dma_wait3A, %dma_wait3A_178] : memref<120x128xf32, #tpu.memory_space<vmem>> -> memref<80x128xf32, #tpu.memory_space<vmem>>
        %dma_wait3A_180 = arith.constant 0 : i32
        %dma_wait3A_181 = tpu.memref_slice %arg14[%mul3A_166, %dma_wait3A_180] : memref<10000x128xf32, #tpu.memory_space<vmem_shared>> -> memref<80x128xf32, #tpu.memory_space<vmem_shared>>
        %dma_wait3A_182 = arith.constant 0 : i32
        %dma_wait3A_183 = tpu.memref_slice %arg14[%mul3A_166, %dma_wait3A_182] : memref<10000x128xf32, #tpu.memory_space<vmem_shared>> -> memref<80x128xf32, #tpu.memory_space<vmem_shared>>
        %dma_wait3A_184 = arith.constant 0 : i32
        %dma_wait3A_185 = arith.constant 0 : i32
        %dma_wait3A_186 = tpu.memref_slice %arg11[%dma_wait3A_184, %dma_wait3A_185] : memref<120x128xf32, #tpu.memory_space<vmem>> -> memref<80x128xf32, #tpu.memory_space<vmem>>
        tpu.wait_dma2 semaphore(%run_scoped3A_167 : memref<!tpu.dma_semaphore, #tpu.memory_space<semaphore_mem>>) src(%dma_wait3A_186 : memref<80x128xf32, #tpu.memory_space<vmem>>) dst(%dma_wait3A_183 : memref<80x128xf32, #tpu.memory_space<vmem_shared>>)
        tpu.yield
      }) : () -> ()
    } else {
    }
    %add3A_50 = arith.constant 48 : i32
    %add3A_51 = arith.addi %arg1, %add3A_50 : i32
    %lt3A_52 = arith.constant 125 : i32
    %lt3A_53 = arith.cmpi slt, %add3A_51, %lt3A_52 : i32
    %convert_element_type3A_54 = arith.extui %lt3A_53 : i1 to i32
    %cond3A_55 = arith.constant 0 : i32
    %cond3A_56 = arith.cmpi ne, %convert_element_type3A_54, %cond3A_55 : i32
    scf.if %cond3A_56 {
      %mul3A_165 = arith.constant 80 : i32
      %mul3A_166 = arith.muli %add3A_51, %mul3A_165 : i32
      "tpu.region"() ({
        %run_scoped3A_167 = tpu.sem_alloc : memref<!tpu.dma_semaphore, #tpu.memory_space<semaphore_mem>>
        %dma_start3A_168 = arith.constant 0 : i32
        %dma_start3A_169 = arith.constant 0 : i32
        %dma_start3A_170 = tpu.memref_slice %arg11[%dma_start3A_168, %dma_start3A_169] : memref<120x128xf32, #tpu.memory_space<vmem>> -> memref<80x128xf32, #tpu.memory_space<vmem>>
        %dma_start3A_171 = arith.constant 0 : i32
        %dma_start3A_172 = tpu.memref_slice %arg14[%mul3A_166, %dma_start3A_171] : memref<10000x128xf32, #tpu.memory_space<vmem_shared>> -> memref<80x128xf32, #tpu.memory_space<vmem_shared>>
        %dma_start3A_173 = arith.constant 0 : i32
        %dma_start3A_174 = tpu.memref_slice %arg14[%mul3A_166, %dma_start3A_173] : memref<10000x128xf32, #tpu.memory_space<vmem_shared>> -> memref<80x128xf32, #tpu.memory_space<vmem_shared>>
        %dma_start3A_175 = arith.constant 0 : i32
        %dma_start3A_176 = arith.constant 0 : i32
        %dma_start3A_177 = tpu.memref_slice %arg11[%dma_start3A_175, %dma_start3A_176] : memref<120x128xf32, #tpu.memory_space<vmem>> -> memref<80x128xf32, #tpu.memory_space<vmem>>
        tpu.enqueue_dma source(%dma_start3A_177 : memref<80x128xf32, #tpu.memory_space<vmem>>) target(%dma_start3A_174 : memref<80x128xf32, #tpu.memory_space<vmem_shared>>) target_semaphore(%run_scoped3A_167 : memref<!tpu.dma_semaphore, #tpu.memory_space<semaphore_mem>>)
        %dma_wait3A = arith.constant 0 : i32
        %dma_wait3A_178 = arith.constant 0 : i32
        %dma_wait3A_179 = tpu.memref_slice %arg11[%dma_wait3A, %dma_wait3A_178] : memref<120x128xf32, #tpu.memory_space<vmem>> -> memref<80x128xf32, #tpu.memory_space<vmem>>
        %dma_wait3A_180 = arith.constant 0 : i32
        %dma_wait3A_181 = tpu.memref_slice %arg14[%mul3A_166, %dma_wait3A_180] : memref<10000x128xf32, #tpu.memory_space<vmem_shared>> -> memref<80x128xf32, #tpu.memory_space<vmem_shared>>
        %dma_wait3A_182 = arith.constant 0 : i32
        %dma_wait3A_183 = tpu.memref_slice %arg14[%mul3A_166, %dma_wait3A_182] : memref<10000x128xf32, #tpu.memory_space<vmem_shared>> -> memref<80x128xf32, #tpu.memory_space<vmem_shared>>
        %dma_wait3A_184 = arith.constant 0 : i32
        %dma_wait3A_185 = arith.constant 0 : i32
        %dma_wait3A_186 = tpu.memref_slice %arg11[%dma_wait3A_184, %dma_wait3A_185] : memref<120x128xf32, #tpu.memory_space<vmem>> -> memref<80x128xf32, #tpu.memory_space<vmem>>
        tpu.wait_dma2 semaphore(%run_scoped3A_167 : memref<!tpu.dma_semaphore, #tpu.memory_space<semaphore_mem>>) src(%dma_wait3A_186 : memref<80x128xf32, #tpu.memory_space<vmem>>) dst(%dma_wait3A_183 : memref<80x128xf32, #tpu.memory_space<vmem_shared>>)
        tpu.yield
      }) : () -> ()
    } else {
    }
    %add3A_57 = arith.constant 64 : i32
    %add3A_58 = arith.addi %arg1, %add3A_57 : i32
    %lt3A_59 = arith.constant 125 : i32
    %lt3A_60 = arith.cmpi slt, %add3A_58, %lt3A_59 : i32
    %convert_element_type3A_61 = arith.extui %lt3A_60 : i1 to i32
    %cond3A_62 = arith.constant 0 : i32
    %cond3A_63 = arith.cmpi ne, %convert_element_type3A_61, %cond3A_62 : i32
    scf.if %cond3A_63 {
      %mul3A_165 = arith.constant 80 : i32
      %mul3A_166 = arith.muli %add3A_58, %mul3A_165 : i32
      "tpu.region"() ({
        %run_scoped3A_167 = tpu.sem_alloc : memref<!tpu.dma_semaphore, #tpu.memory_space<semaphore_mem>>
        %dma_start3A_168 = arith.constant 0 : i32
        %dma_start3A_169 = arith.constant 0 : i32
        %dma_start3A_170 = tpu.memref_slice %arg11[%dma_start3A_168, %dma_start3A_169] : memref<120x128xf32, #tpu.memory_space<vmem>> -> memref<80x128xf32, #tpu.memory_space<vmem>>
        %dma_start3A_171 = arith.constant 0 : i32
        %dma_start3A_172 = tpu.memref_slice %arg14[%mul3A_166, %dma_start3A_171] : memref<10000x128xf32, #tpu.memory_space<vmem_shared>> -> memref<80x128xf32, #tpu.memory_space<vmem_shared>>
        %dma_start3A_173 = arith.constant 0 : i32
        %dma_start3A_174 = tpu.memref_slice %arg14[%mul3A_166, %dma_start3A_173] : memref<10000x128xf32, #tpu.memory_space<vmem_shared>> -> memref<80x128xf32, #tpu.memory_space<vmem_shared>>
        %dma_start3A_175 = arith.constant 0 : i32
        %dma_start3A_176 = arith.constant 0 : i32
        %dma_start3A_177 = tpu.memref_slice %arg11[%dma_start3A_175, %dma_start3A_176] : memref<120x128xf32, #tpu.memory_space<vmem>> -> memref<80x128xf32, #tpu.memory_space<vmem>>
        tpu.enqueue_dma source(%dma_start3A_177 : memref<80x128xf32, #tpu.memory_space<vmem>>) target(%dma_start3A_174 : memref<80x128xf32, #tpu.memory_space<vmem_shared>>) target_semaphore(%run_scoped3A_167 : memref<!tpu.dma_semaphore, #tpu.memory_space<semaphore_mem>>)
        %dma_wait3A = arith.constant 0 : i32
        %dma_wait3A_178 = arith.constant 0 : i32
        %dma_wait3A_179 = tpu.memref_slice %arg11[%dma_wait3A, %dma_wait3A_178] : memref<120x128xf32, #tpu.memory_space<vmem>> -> memref<80x128xf32, #tpu.memory_space<vmem>>
        %dma_wait3A_180 = arith.constant 0 : i32
        %dma_wait3A_181 = tpu.memref_slice %arg14[%mul3A_166, %dma_wait3A_180] : memref<10000x128xf32, #tpu.memory_space<vmem_shared>> -> memref<80x128xf32, #tpu.memory_space<vmem_shared>>
        %dma_wait3A_182 = arith.constant 0 : i32
        %dma_wait3A_183 = tpu.memref_slice %arg14[%mul3A_166, %dma_wait3A_182] : memref<10000x128xf32, #tpu.memory_space<vmem_shared>> -> memref<80x128xf32, #tpu.memory_space<vmem_shared>>
        %dma_wait3A_184 = arith.constant 0 : i32
        %dma_wait3A_185 = arith.constant 0 : i32
        %dma_wait3A_186 = tpu.memref_slice %arg11[%dma_wait3A_184, %dma_wait3A_185] : memref<120x128xf32, #tpu.memory_space<vmem>> -> memref<80x128xf32, #tpu.memory_space<vmem>>
        tpu.wait_dma2 semaphore(%run_scoped3A_167 : memref<!tpu.dma_semaphore, #tpu.memory_space<semaphore_mem>>) src(%dma_wait3A_186 : memref<80x128xf32, #tpu.memory_space<vmem>>) dst(%dma_wait3A_183 : memref<80x128xf32, #tpu.memory_space<vmem_shared>>)
        tpu.yield
      }) : () -> ()
    } else {
    }
    %add3A_64 = arith.constant 80 : i32
    %add3A_65 = arith.addi %arg1, %add3A_64 : i32
    %lt3A_66 = arith.constant 125 : i32
    %lt3A_67 = arith.cmpi slt, %add3A_65, %lt3A_66 : i32
    %convert_element_type3A_68 = arith.extui %lt3A_67 : i1 to i32
    %cond3A_69 = arith.constant 0 : i32
    %cond3A_70 = arith.cmpi ne, %convert_element_type3A_68, %cond3A_69 : i32
    scf.if %cond3A_70 {
      %mul3A_165 = arith.constant 80 : i32
      %mul3A_166 = arith.muli %add3A_65, %mul3A_165 : i32
      "tpu.region"() ({
        %run_scoped3A_167 = tpu.sem_alloc : memref<!tpu.dma_semaphore, #tpu.memory_space<semaphore_mem>>
        %dma_start3A_168 = arith.constant 0 : i32
        %dma_start3A_169 = arith.constant 0 : i32
        %dma_start3A_170 = tpu.memref_slice %arg11[%dma_start3A_168, %dma_start3A_169] : memref<120x128xf32, #tpu.memory_space<vmem>> -> memref<80x128xf32, #tpu.memory_space<vmem>>
        %dma_start3A_171 = arith.constant 0 : i32
        %dma_start3A_172 = tpu.memref_slice %arg14[%mul3A_166, %dma_start3A_171] : memref<10000x128xf32, #tpu.memory_space<vmem_shared>> -> memref<80x128xf32, #tpu.memory_space<vmem_shared>>
        %dma_start3A_173 = arith.constant 0 : i32
        %dma_start3A_174 = tpu.memref_slice %arg14[%mul3A_166, %dma_start3A_173] : memref<10000x128xf32, #tpu.memory_space<vmem_shared>> -> memref<80x128xf32, #tpu.memory_space<vmem_shared>>
        %dma_start3A_175 = arith.constant 0 : i32
        %dma_start3A_176 = arith.constant 0 : i32
        %dma_start3A_177 = tpu.memref_slice %arg11[%dma_start3A_175, %dma_start3A_176] : memref<120x128xf32, #tpu.memory_space<vmem>> -> memref<80x128xf32, #tpu.memory_space<vmem>>
        tpu.enqueue_dma source(%dma_start3A_177 : memref<80x128xf32, #tpu.memory_space<vmem>>) target(%dma_start3A_174 : memref<80x128xf32, #tpu.memory_space<vmem_shared>>) target_semaphore(%run_scoped3A_167 : memref<!tpu.dma_semaphore, #tpu.memory_space<semaphore_mem>>)
        %dma_wait3A = arith.constant 0 : i32
        %dma_wait3A_178 = arith.constant 0 : i32
        %dma_wait3A_179 = tpu.memref_slice %arg11[%dma_wait3A, %dma_wait3A_178] : memref<120x128xf32, #tpu.memory_space<vmem>> -> memref<80x128xf32, #tpu.memory_space<vmem>>
        %dma_wait3A_180 = arith.constant 0 : i32
        %dma_wait3A_181 = tpu.memref_slice %arg14[%mul3A_166, %dma_wait3A_180] : memref<10000x128xf32, #tpu.memory_space<vmem_shared>> -> memref<80x128xf32, #tpu.memory_space<vmem_shared>>
        %dma_wait3A_182 = arith.constant 0 : i32
        %dma_wait3A_183 = tpu.memref_slice %arg14[%mul3A_166, %dma_wait3A_182] : memref<10000x128xf32, #tpu.memory_space<vmem_shared>> -> memref<80x128xf32, #tpu.memory_space<vmem_shared>>
        %dma_wait3A_184 = arith.constant 0 : i32
        %dma_wait3A_185 = arith.constant 0 : i32
        %dma_wait3A_186 = tpu.memref_slice %arg11[%dma_wait3A_184, %dma_wait3A_185] : memref<120x128xf32, #tpu.memory_space<vmem>> -> memref<80x128xf32, #tpu.memory_space<vmem>>
        tpu.wait_dma2 semaphore(%run_scoped3A_167 : memref<!tpu.dma_semaphore, #tpu.memory_space<semaphore_mem>>) src(%dma_wait3A_186 : memref<80x128xf32, #tpu.memory_space<vmem>>) dst(%dma_wait3A_183 : memref<80x128xf32, #tpu.memory_space<vmem_shared>>)
        tpu.yield
      }) : () -> ()
    } else {
    }
    %add3A_71 = arith.constant 96 : i32
    %add3A_72 = arith.addi %arg1, %add3A_71 : i32
    %lt3A_73 = arith.constant 125 : i32
    %lt3A_74 = arith.cmpi slt, %add3A_72, %lt3A_73 : i32
    %convert_element_type3A_75 = arith.extui %lt3A_74 : i1 to i32
    %cond3A_76 = arith.constant 0 : i32
    %cond3A_77 = arith.cmpi ne, %convert_element_type3A_75, %cond3A_76 : i32
    scf.if %cond3A_77 {
      %mul3A_165 = arith.constant 80 : i32
      %mul3A_166 = arith.muli %add3A_72, %mul3A_165 : i32
      "tpu.region"() ({
        %run_scoped3A_167 = tpu.sem_alloc : memref<!tpu.dma_semaphore, #tpu.memory_space<semaphore_mem>>
        %dma_start3A_168 = arith.constant 0 : i32
        %dma_start3A_169 = arith.constant 0 : i32
        %dma_start3A_170 = tpu.memref_slice %arg11[%dma_start3A_168, %dma_start3A_169] : memref<120x128xf32, #tpu.memory_space<vmem>> -> memref<80x128xf32, #tpu.memory_space<vmem>>
        %dma_start3A_171 = arith.constant 0 : i32
        %dma_start3A_172 = tpu.memref_slice %arg14[%mul3A_166, %dma_start3A_171] : memref<10000x128xf32, #tpu.memory_space<vmem_shared>> -> memref<80x128xf32, #tpu.memory_space<vmem_shared>>
        %dma_start3A_173 = arith.constant 0 : i32
        %dma_start3A_174 = tpu.memref_slice %arg14[%mul3A_166, %dma_start3A_173] : memref<10000x128xf32, #tpu.memory_space<vmem_shared>> -> memref<80x128xf32, #tpu.memory_space<vmem_shared>>
        %dma_start3A_175 = arith.constant 0 : i32
        %dma_start3A_176 = arith.constant 0 : i32
        %dma_start3A_177 = tpu.memref_slice %arg11[%dma_start3A_175, %dma_start3A_176] : memref<120x128xf32, #tpu.memory_space<vmem>> -> memref<80x128xf32, #tpu.memory_space<vmem>>
        tpu.enqueue_dma source(%dma_start3A_177 : memref<80x128xf32, #tpu.memory_space<vmem>>) target(%dma_start3A_174 : memref<80x128xf32, #tpu.memory_space<vmem_shared>>) target_semaphore(%run_scoped3A_167 : memref<!tpu.dma_semaphore, #tpu.memory_space<semaphore_mem>>)
        %dma_wait3A = arith.constant 0 : i32
        %dma_wait3A_178 = arith.constant 0 : i32
        %dma_wait3A_179 = tpu.memref_slice %arg11[%dma_wait3A, %dma_wait3A_178] : memref<120x128xf32, #tpu.memory_space<vmem>> -> memref<80x128xf32, #tpu.memory_space<vmem>>
        %dma_wait3A_180 = arith.constant 0 : i32
        %dma_wait3A_181 = tpu.memref_slice %arg14[%mul3A_166, %dma_wait3A_180] : memref<10000x128xf32, #tpu.memory_space<vmem_shared>> -> memref<80x128xf32, #tpu.memory_space<vmem_shared>>
        %dma_wait3A_182 = arith.constant 0 : i32
        %dma_wait3A_183 = tpu.memref_slice %arg14[%mul3A_166, %dma_wait3A_182] : memref<10000x128xf32, #tpu.memory_space<vmem_shared>> -> memref<80x128xf32, #tpu.memory_space<vmem_shared>>
        %dma_wait3A_184 = arith.constant 0 : i32
        %dma_wait3A_185 = arith.constant 0 : i32
        %dma_wait3A_186 = tpu.memref_slice %arg11[%dma_wait3A_184, %dma_wait3A_185] : memref<120x128xf32, #tpu.memory_space<vmem>> -> memref<80x128xf32, #tpu.memory_space<vmem>>
        tpu.wait_dma2 semaphore(%run_scoped3A_167 : memref<!tpu.dma_semaphore, #tpu.memory_space<semaphore_mem>>) src(%dma_wait3A_186 : memref<80x128xf32, #tpu.memory_space<vmem>>) dst(%dma_wait3A_183 : memref<80x128xf32, #tpu.memory_space<vmem_shared>>)
        tpu.yield
      }) : () -> ()
    } else {
    }
    %add3A_78 = arith.constant 112 : i32
    %add3A_79 = arith.addi %arg1, %add3A_78 : i32
    %lt3A_80 = arith.constant 125 : i32
    %lt3A_81 = arith.cmpi slt, %add3A_79, %lt3A_80 : i32
    %convert_element_type3A_82 = arith.extui %lt3A_81 : i1 to i32
    %cond3A_83 = arith.constant 0 : i32
    %cond3A_84 = arith.cmpi ne, %convert_element_type3A_82, %cond3A_83 : i32
    scf.if %cond3A_84 {
      %mul3A_165 = arith.constant 80 : i32
      %mul3A_166 = arith.muli %add3A_79, %mul3A_165 : i32
      "tpu.region"() ({
        %run_scoped3A_167 = tpu.sem_alloc : memref<!tpu.dma_semaphore, #tpu.memory_space<semaphore_mem>>
        %dma_start3A_168 = arith.constant 0 : i32
        %dma_start3A_169 = arith.constant 0 : i32
        %dma_start3A_170 = tpu.memref_slice %arg11[%dma_start3A_168, %dma_start3A_169] : memref<120x128xf32, #tpu.memory_space<vmem>> -> memref<80x128xf32, #tpu.memory_space<vmem>>
        %dma_start3A_171 = arith.constant 0 : i32
        %dma_start3A_172 = tpu.memref_slice %arg14[%mul3A_166, %dma_start3A_171] : memref<10000x128xf32, #tpu.memory_space<vmem_shared>> -> memref<80x128xf32, #tpu.memory_space<vmem_shared>>
        %dma_start3A_173 = arith.constant 0 : i32
        %dma_start3A_174 = tpu.memref_slice %arg14[%mul3A_166, %dma_start3A_173] : memref<10000x128xf32, #tpu.memory_space<vmem_shared>> -> memref<80x128xf32, #tpu.memory_space<vmem_shared>>
        %dma_start3A_175 = arith.constant 0 : i32
        %dma_start3A_176 = arith.constant 0 : i32
        %dma_start3A_177 = tpu.memref_slice %arg11[%dma_start3A_175, %dma_start3A_176] : memref<120x128xf32, #tpu.memory_space<vmem>> -> memref<80x128xf32, #tpu.memory_space<vmem>>
        tpu.enqueue_dma source(%dma_start3A_177 : memref<80x128xf32, #tpu.memory_space<vmem>>) target(%dma_start3A_174 : memref<80x128xf32, #tpu.memory_space<vmem_shared>>) target_semaphore(%run_scoped3A_167 : memref<!tpu.dma_semaphore, #tpu.memory_space<semaphore_mem>>)
        %dma_wait3A = arith.constant 0 : i32
        %dma_wait3A_178 = arith.constant 0 : i32
        %dma_wait3A_179 = tpu.memref_slice %arg11[%dma_wait3A, %dma_wait3A_178] : memref<120x128xf32, #tpu.memory_space<vmem>> -> memref<80x128xf32, #tpu.memory_space<vmem>>
        %dma_wait3A_180 = arith.constant 0 : i32
        %dma_wait3A_181 = tpu.memref_slice %arg14[%mul3A_166, %dma_wait3A_180] : memref<10000x128xf32, #tpu.memory_space<vmem_shared>> -> memref<80x128xf32, #tpu.memory_space<vmem_shared>>
        %dma_wait3A_182 = arith.constant 0 : i32
        %dma_wait3A_183 = tpu.memref_slice %arg14[%mul3A_166, %dma_wait3A_182] : memref<10000x128xf32, #tpu.memory_space<vmem_shared>> -> memref<80x128xf32, #tpu.memory_space<vmem_shared>>
        %dma_wait3A_184 = arith.constant 0 : i32
        %dma_wait3A_185 = arith.constant 0 : i32
        %dma_wait3A_186 = tpu.memref_slice %arg11[%dma_wait3A_184, %dma_wait3A_185] : memref<120x128xf32, #tpu.memory_space<vmem>> -> memref<80x128xf32, #tpu.memory_space<vmem>>
        tpu.wait_dma2 semaphore(%run_scoped3A_167 : memref<!tpu.dma_semaphore, #tpu.memory_space<semaphore_mem>>) src(%dma_wait3A_186 : memref<80x128xf32, #tpu.memory_space<vmem>>) dst(%dma_wait3A_183 : memref<80x128xf32, #tpu.memory_space<vmem_shared>>)
        tpu.yield
      }) : () -> ()
    } else {
    }
    %barrier3A = arith.constant 0 : index
    tpu.barrier barrier_id(%barrier3A)
    %add3A_85 = arith.constant 0 : i32
    %add3A_86 = arith.addi %mul3A_2, %add3A_85 : i32
    %dma_start3A_87 = arith.constant 0 : i32
    %dma_start3A_88 = tpu.memref_slice %arg2[%add3A_86, %dma_start3A_87] : memref<320000x128xf32, #tpu.memory_space<hbm>> -> memref<120x128xf32, #tpu.memory_space<hbm>>
    %dma_start3A_89 = arith.constant 0 : i32
    %dma_start3A_90 = tpu.memref_slice %arg2[%add3A_86, %dma_start3A_89] : memref<320000x128xf32, #tpu.memory_space<hbm>> -> memref<120x128xf32, #tpu.memory_space<hbm>>
    tpu.enqueue_dma source(%dma_start3A_90 : memref<120x128xf32, #tpu.memory_space<hbm>>) target(%arg11 : memref<120x128xf32, #tpu.memory_space<vmem>>) target_semaphore(%arg15 : memref<!tpu.dma_semaphore, #tpu.memory_space<semaphore_mem>>)
    %dma_start3A_91 = arith.constant 0 : i32
    %dma_start3A_92 = arith.constant 0 : i32
    %dma_start3A_93 = arith.constant 0 : i32
    %dma_start3A_94 = tpu.memref_slice %arg3[%add3A, %dma_start3A_91, %dma_start3A_92, %dma_start3A_93] : memref<32x83x1x120xi32, #tpu.memory_space<hbm>> -> memref<1x1x1x120xi32, #tpu.memory_space<hbm>>
    %dma_start3A_95 = tpu.memref_squeeze %dma_start3A_94 : memref<1x1x1x120xi32, #tpu.memory_space<hbm>> -> memref<1x120xi32, #tpu.memory_space<hbm>>
    %dma_start3A_96 = arith.constant 0 : i32
    %dma_start3A_97 = arith.constant 0 : i32
    %dma_start3A_98 = tpu.memref_slice %arg3[%add3A, %dma_start3A_91, %dma_start3A_96, %dma_start3A_97] : memref<32x83x1x120xi32, #tpu.memory_space<hbm>> -> memref<1x1x1x120xi32, #tpu.memory_space<hbm>>
    %dma_start3A_99 = tpu.memref_squeeze %dma_start3A_98 : memref<1x1x1x120xi32, #tpu.memory_space<hbm>> -> memref<1x120xi32, #tpu.memory_space<hbm>>
    tpu.enqueue_dma source(%dma_start3A_99 : memref<1x120xi32, #tpu.memory_space<hbm>>) target(%arg7 : memref<1x120xi32, #tpu.memory_space<vmem>>) target_semaphore(%arg18 : memref<!tpu.dma_semaphore, #tpu.memory_space<semaphore_mem>>)
    %scan3A = arith.constant 0 : i32
    %scan3A_100 = arith.constant 0 : i32
    %scan3A_101 = arith.constant 28 : i32
    %scan3A_102 = arith.addi %scan3A_100, %scan3A_101 : i32
    %scan3A_103 = arith.constant 1 : i32
    %scan3A_104 = scf.for %scan3A_165 = %scan3A_100 to %scan3A_102 step %scan3A_103 iter_args(%scan3A_166 = %scan3A) -> (i32)  : i32 {
      %mul3A_167 = arith.constant 3 : i32
      %mul3A_168 = arith.muli %mul3A_167, %scan3A_165 : i32
      %add3A_169 = arith.constant 0 : i32
      %add3A_170 = arith.addi %mul3A_168, %add3A_169 : i32
      %lt3A_171 = arith.constant 83 : i32
      %lt3A_172 = arith.cmpi slt, %add3A_170, %lt3A_171 : i32
      %convert_element_type3A_173 = arith.extui %lt3A_172 : i1 to i32
      %cond3A_174 = arith.constant 0 : i32
      %cond3A_175 = arith.cmpi ne, %convert_element_type3A_173, %cond3A_174 : i32
      scf.if %cond3A_175 {
        %dma_wait3A = arith.constant 0 : i32
        %dma_wait3A_195 = arith.constant 0 : i32
        %dma_wait3A_196 = tpu.memref_slice %arg2[%dma_wait3A, %dma_wait3A_195] : memref<320000x128xf32, #tpu.memory_space<hbm>> -> memref<120x128xf32, #tpu.memory_space<hbm>>
        %dma_wait3A_197 = arith.constant 0 : i32
        %dma_wait3A_198 = arith.constant 0 : i32
        %dma_wait3A_199 = tpu.memref_slice %arg2[%dma_wait3A_197, %dma_wait3A_198] : memref<320000x128xf32, #tpu.memory_space<hbm>> -> memref<120x128xf32, #tpu.memory_space<hbm>>
        tpu.wait_dma2 semaphore(%arg15 : memref<!tpu.dma_semaphore, #tpu.memory_space<semaphore_mem>>) src(%dma_wait3A_199 : memref<120x128xf32, #tpu.memory_space<hbm>>) dst(%arg11 : memref<120x128xf32, #tpu.memory_space<vmem>>)
        %dma_wait3A_200 = arith.constant 0 : i32
        %dma_wait3A_201 = arith.constant 0 : i32
        %dma_wait3A_202 = arith.constant 0 : i32
        %dma_wait3A_203 = tpu.memref_slice %arg3[%add3A, %dma_wait3A_200, %dma_wait3A_201, %dma_wait3A_202] : memref<32x83x1x120xi32, #tpu.memory_space<hbm>> -> memref<1x1x1x120xi32, #tpu.memory_space<hbm>>
        %dma_wait3A_204 = tpu.memref_squeeze %dma_wait3A_203 : memref<1x1x1x120xi32, #tpu.memory_space<hbm>> -> memref<1x120xi32, #tpu.memory_space<hbm>>
        %dma_wait3A_205 = arith.constant 0 : i32
        %dma_wait3A_206 = arith.constant 0 : i32
        %dma_wait3A_207 = tpu.memref_slice %arg3[%add3A, %dma_wait3A_200, %dma_wait3A_205, %dma_wait3A_206] : memref<32x83x1x120xi32, #tpu.memory_space<hbm>> -> memref<1x1x1x120xi32, #tpu.memory_space<hbm>>
        %dma_wait3A_208 = tpu.memref_squeeze %dma_wait3A_207 : memref<1x1x1x120xi32, #tpu.memory_space<hbm>> -> memref<1x120xi32, #tpu.memory_space<hbm>>
        tpu.wait_dma2 semaphore(%arg18 : memref<!tpu.dma_semaphore, #tpu.memory_space<semaphore_mem>>) src(%dma_wait3A_208 : memref<1x120xi32, #tpu.memory_space<hbm>>) dst(%arg7 : memref<1x120xi32, #tpu.memory_space<vmem>>)
        %run_scoped3A_209 = arith.constant 0 : i32
        "tpu.region"() ({
          %run_scoped3A_217 = tpu.sem_alloc : memref<!tpu.dma_semaphore, #tpu.memory_space<semaphore_mem>>
          %dma_start3A_218 = arith.constant 0 : i32
          %dma_start3A_219 = tpu.memref_slice %arg7[%run_scoped3A_209, %dma_start3A_218] : memref<1x120xi32, #tpu.memory_space<vmem>> -> memref<1x120xi32, #tpu.memory_space<vmem>>
          %dma_start3A_220 = tpu.memref_squeeze %dma_start3A_219 : memref<1x120xi32, #tpu.memory_space<vmem>> -> memref<120xi32, #tpu.memory_space<vmem>>
          %dma_start3A_221 = arith.constant 0 : i32
          %dma_start3A_222 = arith.constant 0 : i32
          %dma_start3A_223 = tpu.memref_slice %arg14[%dma_start3A_221, %dma_start3A_222] : memref<10000x128xf32, #tpu.memory_space<vmem_shared>> -> memref<10000x128xf32, #tpu.memory_space<vmem_shared>>
          tpu.enqueue_indirect_dma source(%arg11 : memref<120x128xf32, #tpu.memory_space<vmem>>) target(%dma_start3A_223 : memref<10000x128xf32, #tpu.memory_space<vmem_shared>>) offsets(%dma_start3A_220 : memref<120xi32, #tpu.memory_space<vmem>>) semaphore(%run_scoped3A_217 : memref<!tpu.dma_semaphore, #tpu.memory_space<semaphore_mem>>) {add = true}
          %dma_wait3A_224 = arith.constant 0 : i32
          %dma_wait3A_225 = tpu.memref_slice %arg7[%run_scoped3A_209, %dma_wait3A_224] : memref<1x120xi32, #tpu.memory_space<vmem>> -> memref<1x120xi32, #tpu.memory_space<vmem>>
          %dma_wait3A_226 = tpu.memref_squeeze %dma_wait3A_225 : memref<1x120xi32, #tpu.memory_space<vmem>> -> memref<120xi32, #tpu.memory_space<vmem>>
          %dma_wait3A_227 = arith.constant 0 : i32
          %dma_wait3A_228 = arith.constant 0 : i32
          %dma_wait3A_229 = tpu.memref_slice %arg14[%dma_wait3A_227, %dma_wait3A_228] : memref<10000x128xf32, #tpu.memory_space<vmem_shared>> -> memref<10000x128xf32, #tpu.memory_space<vmem_shared>>
          tpu.wait_indirect_dma semaphore(%run_scoped3A_217 : memref<!tpu.dma_semaphore, #tpu.memory_space<semaphore_mem>>) src(%arg11 : memref<120x128xf32, #tpu.memory_space<vmem>>) dst(%dma_wait3A_229 : memref<10000x128xf32, #tpu.memory_space<vmem_shared>>)
          tpu.yield
        }) : () -> ()
        %add3A_210 = arith.constant 3 : i32
        %add3A_211 = arith.addi %add3A_170, %add3A_210 : i32
        %lt3A_212 = arith.constant 83 : i32
        %lt3A_213 = arith.cmpi slt, %add3A_211, %lt3A_212 : i32
        %convert_element_type3A_214 = arith.extui %lt3A_213 : i1 to i32
        %cond3A_215 = arith.constant 0 : i32
        %cond3A_216 = arith.cmpi ne, %convert_element_type3A_214, %cond3A_215 : i32
        scf.if %cond3A_216 {
          %add3A_217 = arith.constant 3 : i32
          %add3A_218 = arith.addi %add3A_170, %add3A_217 : i32
          %mul3A_219 = arith.constant 120 : i32
          %mul3A_220 = arith.muli %add3A_218, %mul3A_219 : i32
          %add3A_221 = arith.addi %mul3A_2, %mul3A_220 : i32
          %dma_start3A_222 = arith.constant 0 : i32
          %dma_start3A_223 = tpu.memref_slice %arg2[%add3A_221, %dma_start3A_222] : memref<320000x128xf32, #tpu.memory_space<hbm>> -> memref<120x128xf32, #tpu.memory_space<hbm>>
          %dma_start3A_224 = arith.constant 0 : i32
          %dma_start3A_225 = tpu.memref_slice %arg2[%add3A_221, %dma_start3A_224] : memref<320000x128xf32, #tpu.memory_space<hbm>> -> memref<120x128xf32, #tpu.memory_space<hbm>>
          tpu.enqueue_dma source(%dma_start3A_225 : memref<120x128xf32, #tpu.memory_space<hbm>>) target(%arg11 : memref<120x128xf32, #tpu.memory_space<vmem>>) target_semaphore(%arg15 : memref<!tpu.dma_semaphore, #tpu.memory_space<semaphore_mem>>)
          %dma_start3A_226 = arith.constant 0 : i32
          %dma_start3A_227 = arith.constant 0 : i32
          %dma_start3A_228 = tpu.memref_slice %arg3[%add3A, %add3A_218, %dma_start3A_226, %dma_start3A_227] : memref<32x83x1x120xi32, #tpu.memory_space<hbm>> -> memref<1x1x1x120xi32, #tpu.memory_space<hbm>>
          %dma_start3A_229 = tpu.memref_squeeze %dma_start3A_228 : memref<1x1x1x120xi32, #tpu.memory_space<hbm>> -> memref<1x120xi32, #tpu.memory_space<hbm>>
          %dma_start3A_230 = arith.constant 0 : i32
          %dma_start3A_231 = arith.constant 0 : i32
          %dma_start3A_232 = tpu.memref_slice %arg3[%add3A, %add3A_218, %dma_start3A_230, %dma_start3A_231] : memref<32x83x1x120xi32, #tpu.memory_space<hbm>> -> memref<1x1x1x120xi32, #tpu.memory_space<hbm>>
          %dma_start3A_233 = tpu.memref_squeeze %dma_start3A_232 : memref<1x1x1x120xi32, #tpu.memory_space<hbm>> -> memref<1x120xi32, #tpu.memory_space<hbm>>
          tpu.enqueue_dma source(%dma_start3A_233 : memref<1x120xi32, #tpu.memory_space<hbm>>) target(%arg7 : memref<1x120xi32, #tpu.memory_space<vmem>>) target_semaphore(%arg18 : memref<!tpu.dma_semaphore, #tpu.memory_space<semaphore_mem>>)
        } else {
        }
      } else {
      }
      %mul3A_176 = arith.constant 3 : i32
      %mul3A_177 = arith.muli %mul3A_176, %scan3A_165 : i32
      %add3A_178 = arith.constant 1 : i32
      %add3A_179 = arith.addi %mul3A_177, %add3A_178 : i32
      %lt3A_180 = arith.constant 83 : i32
      %lt3A_181 = arith.cmpi slt, %add3A_179, %lt3A_180 : i32
      %convert_element_type3A_182 = arith.extui %lt3A_181 : i1 to i32
      %cond3A_183 = arith.constant 0 : i32
      %cond3A_184 = arith.cmpi ne, %convert_element_type3A_182, %cond3A_183 : i32
      scf.if %cond3A_184 {
        %dma_wait3A = arith.constant 0 : i32
        %dma_wait3A_195 = arith.constant 0 : i32
        %dma_wait3A_196 = tpu.memref_slice %arg2[%dma_wait3A, %dma_wait3A_195] : memref<320000x128xf32, #tpu.memory_space<hbm>> -> memref<120x128xf32, #tpu.memory_space<hbm>>
        %dma_wait3A_197 = arith.constant 0 : i32
        %dma_wait3A_198 = arith.constant 0 : i32
        %dma_wait3A_199 = tpu.memref_slice %arg2[%dma_wait3A_197, %dma_wait3A_198] : memref<320000x128xf32, #tpu.memory_space<hbm>> -> memref<120x128xf32, #tpu.memory_space<hbm>>
        tpu.wait_dma2 semaphore(%arg16 : memref<!tpu.dma_semaphore, #tpu.memory_space<semaphore_mem>>) src(%dma_wait3A_199 : memref<120x128xf32, #tpu.memory_space<hbm>>) dst(%arg12 : memref<120x128xf32, #tpu.memory_space<vmem>>)
        %dma_wait3A_200 = arith.constant 0 : i32
        %dma_wait3A_201 = arith.constant 0 : i32
        %dma_wait3A_202 = arith.constant 0 : i32
        %dma_wait3A_203 = tpu.memref_slice %arg3[%add3A, %dma_wait3A_200, %dma_wait3A_201, %dma_wait3A_202] : memref<32x83x1x120xi32, #tpu.memory_space<hbm>> -> memref<1x1x1x120xi32, #tpu.memory_space<hbm>>
        %dma_wait3A_204 = tpu.memref_squeeze %dma_wait3A_203 : memref<1x1x1x120xi32, #tpu.memory_space<hbm>> -> memref<1x120xi32, #tpu.memory_space<hbm>>
        %dma_wait3A_205 = arith.constant 0 : i32
        %dma_wait3A_206 = arith.constant 0 : i32
        %dma_wait3A_207 = tpu.memref_slice %arg3[%add3A, %dma_wait3A_200, %dma_wait3A_205, %dma_wait3A_206] : memref<32x83x1x120xi32, #tpu.memory_space<hbm>> -> memref<1x1x1x120xi32, #tpu.memory_space<hbm>>
        %dma_wait3A_208 = tpu.memref_squeeze %dma_wait3A_207 : memref<1x1x1x120xi32, #tpu.memory_space<hbm>> -> memref<1x120xi32, #tpu.memory_space<hbm>>
        tpu.wait_dma2 semaphore(%arg19 : memref<!tpu.dma_semaphore, #tpu.memory_space<semaphore_mem>>) src(%dma_wait3A_208 : memref<1x120xi32, #tpu.memory_space<hbm>>) dst(%arg8 : memref<1x120xi32, #tpu.memory_space<vmem>>)
        %run_scoped3A_209 = arith.constant 0 : i32
        "tpu.region"() ({
          %run_scoped3A_217 = tpu.sem_alloc : memref<!tpu.dma_semaphore, #tpu.memory_space<semaphore_mem>>
          %dma_start3A_218 = arith.constant 0 : i32
          %dma_start3A_219 = tpu.memref_slice %arg8[%run_scoped3A_209, %dma_start3A_218] : memref<1x120xi32, #tpu.memory_space<vmem>> -> memref<1x120xi32, #tpu.memory_space<vmem>>
          %dma_start3A_220 = tpu.memref_squeeze %dma_start3A_219 : memref<1x120xi32, #tpu.memory_space<vmem>> -> memref<120xi32, #tpu.memory_space<vmem>>
          %dma_start3A_221 = arith.constant 0 : i32
          %dma_start3A_222 = arith.constant 0 : i32
          %dma_start3A_223 = tpu.memref_slice %arg14[%dma_start3A_221, %dma_start3A_222] : memref<10000x128xf32, #tpu.memory_space<vmem_shared>> -> memref<10000x128xf32, #tpu.memory_space<vmem_shared>>
          tpu.enqueue_indirect_dma source(%arg12 : memref<120x128xf32, #tpu.memory_space<vmem>>) target(%dma_start3A_223 : memref<10000x128xf32, #tpu.memory_space<vmem_shared>>) offsets(%dma_start3A_220 : memref<120xi32, #tpu.memory_space<vmem>>) semaphore(%run_scoped3A_217 : memref<!tpu.dma_semaphore, #tpu.memory_space<semaphore_mem>>) {add = true}
          %dma_wait3A_224 = arith.constant 0 : i32
          %dma_wait3A_225 = tpu.memref_slice %arg8[%run_scoped3A_209, %dma_wait3A_224] : memref<1x120xi32, #tpu.memory_space<vmem>> -> memref<1x120xi32, #tpu.memory_space<vmem>>
          %dma_wait3A_226 = tpu.memref_squeeze %dma_wait3A_225 : memref<1x120xi32, #tpu.memory_space<vmem>> -> memref<120xi32, #tpu.memory_space<vmem>>
          %dma_wait3A_227 = arith.constant 0 : i32
          %dma_wait3A_228 = arith.constant 0 : i32
          %dma_wait3A_229 = tpu.memref_slice %arg14[%dma_wait3A_227, %dma_wait3A_228] : memref<10000x128xf32, #tpu.memory_space<vmem_shared>> -> memref<10000x128xf32, #tpu.memory_space<vmem_shared>>
          tpu.wait_indirect_dma semaphore(%run_scoped3A_217 : memref<!tpu.dma_semaphore, #tpu.memory_space<semaphore_mem>>) src(%arg12 : memref<120x128xf32, #tpu.memory_space<vmem>>) dst(%dma_wait3A_229 : memref<10000x128xf32, #tpu.memory_space<vmem_shared>>)
          tpu.yield
        }) : () -> ()
        %add3A_210 = arith.constant 3 : i32
        %add3A_211 = arith.addi %add3A_179, %add3A_210 : i32
        %lt3A_212 = arith.constant 83 : i32
        %lt3A_213 = arith.cmpi slt, %add3A_211, %lt3A_212 : i32
        %convert_element_type3A_214 = arith.extui %lt3A_213 : i1 to i32
        %cond3A_215 = arith.constant 0 : i32
        %cond3A_216 = arith.cmpi ne, %convert_element_type3A_214, %cond3A_215 : i32
        scf.if %cond3A_216 {
          %add3A_217 = arith.constant 3 : i32
          %add3A_218 = arith.addi %add3A_179, %add3A_217 : i32
          %mul3A_219 = arith.constant 120 : i32
          %mul3A_220 = arith.muli %add3A_218, %mul3A_219 : i32
          %add3A_221 = arith.addi %mul3A_2, %mul3A_220 : i32
          %dma_start3A_222 = arith.constant 0 : i32
          %dma_start3A_223 = tpu.memref_slice %arg2[%add3A_221, %dma_start3A_222] : memref<320000x128xf32, #tpu.memory_space<hbm>> -> memref<120x128xf32, #tpu.memory_space<hbm>>
          %dma_start3A_224 = arith.constant 0 : i32
          %dma_start3A_225 = tpu.memref_slice %arg2[%add3A_221, %dma_start3A_224] : memref<320000x128xf32, #tpu.memory_space<hbm>> -> memref<120x128xf32, #tpu.memory_space<hbm>>
          tpu.enqueue_dma source(%dma_start3A_225 : memref<120x128xf32, #tpu.memory_space<hbm>>) target(%arg12 : memref<120x128xf32, #tpu.memory_space<vmem>>) target_semaphore(%arg16 : memref<!tpu.dma_semaphore, #tpu.memory_space<semaphore_mem>>)
          %dma_start3A_226 = arith.constant 0 : i32
          %dma_start3A_227 = arith.constant 0 : i32
          %dma_start3A_228 = tpu.memref_slice %arg3[%add3A, %add3A_218, %dma_start3A_226, %dma_start3A_227] : memref<32x83x1x120xi32, #tpu.memory_space<hbm>> -> memref<1x1x1x120xi32, #tpu.memory_space<hbm>>
          %dma_start3A_229 = tpu.memref_squeeze %dma_start3A_228 : memref<1x1x1x120xi32, #tpu.memory_space<hbm>> -> memref<1x120xi32, #tpu.memory_space<hbm>>
          %dma_start3A_230 = arith.constant 0 : i32
          %dma_start3A_231 = arith.constant 0 : i32
          %dma_start3A_232 = tpu.memref_slice %arg3[%add3A, %add3A_218, %dma_start3A_230, %dma_start3A_231] : memref<32x83x1x120xi32, #tpu.memory_space<hbm>> -> memref<1x1x1x120xi32, #tpu.memory_space<hbm>>
          %dma_start3A_233 = tpu.memref_squeeze %dma_start3A_232 : memref<1x1x1x120xi32, #tpu.memory_space<hbm>> -> memref<1x120xi32, #tpu.memory_space<hbm>>
          tpu.enqueue_dma source(%dma_start3A_233 : memref<1x120xi32, #tpu.memory_space<hbm>>) target(%arg8 : memref<1x120xi32, #tpu.memory_space<vmem>>) target_semaphore(%arg19 : memref<!tpu.dma_semaphore, #tpu.memory_space<semaphore_mem>>)
        } else {
        }
      } else {
      }
      %mul3A_185 = arith.constant 3 : i32
      %mul3A_186 = arith.muli %mul3A_185, %scan3A_165 : i32
      %add3A_187 = arith.constant 2 : i32
      %add3A_188 = arith.addi %mul3A_186, %add3A_187 : i32
      %lt3A_189 = arith.constant 83 : i32
      %lt3A_190 = arith.cmpi slt, %add3A_188, %lt3A_189 : i32
      %convert_element_type3A_191 = arith.extui %lt3A_190 : i1 to i32
      %cond3A_192 = arith.constant 0 : i32
      %cond3A_193 = arith.cmpi ne, %convert_element_type3A_191, %cond3A_192 : i32
      scf.if %cond3A_193 {
        %dma_wait3A = arith.constant 0 : i32
        %dma_wait3A_195 = arith.constant 0 : i32
        %dma_wait3A_196 = tpu.memref_slice %arg2[%dma_wait3A, %dma_wait3A_195] : memref<320000x128xf32, #tpu.memory_space<hbm>> -> memref<120x128xf32, #tpu.memory_space<hbm>>
        %dma_wait3A_197 = arith.constant 0 : i32
        %dma_wait3A_198 = arith.constant 0 : i32
        %dma_wait3A_199 = tpu.memref_slice %arg2[%dma_wait3A_197, %dma_wait3A_198] : memref<320000x128xf32, #tpu.memory_space<hbm>> -> memref<120x128xf32, #tpu.memory_space<hbm>>
        tpu.wait_dma2 semaphore(%arg17 : memref<!tpu.dma_semaphore, #tpu.memory_space<semaphore_mem>>) src(%dma_wait3A_199 : memref<120x128xf32, #tpu.memory_space<hbm>>) dst(%arg13 : memref<120x128xf32, #tpu.memory_space<vmem>>)
        %dma_wait3A_200 = arith.constant 0 : i32
        %dma_wait3A_201 = arith.constant 0 : i32
        %dma_wait3A_202 = arith.constant 0 : i32
        %dma_wait3A_203 = tpu.memref_slice %arg3[%add3A, %dma_wait3A_200, %dma_wait3A_201, %dma_wait3A_202] : memref<32x83x1x120xi32, #tpu.memory_space<hbm>> -> memref<1x1x1x120xi32, #tpu.memory_space<hbm>>
        %dma_wait3A_204 = tpu.memref_squeeze %dma_wait3A_203 : memref<1x1x1x120xi32, #tpu.memory_space<hbm>> -> memref<1x120xi32, #tpu.memory_space<hbm>>
        %dma_wait3A_205 = arith.constant 0 : i32
        %dma_wait3A_206 = arith.constant 0 : i32
        %dma_wait3A_207 = tpu.memref_slice %arg3[%add3A, %dma_wait3A_200, %dma_wait3A_205, %dma_wait3A_206] : memref<32x83x1x120xi32, #tpu.memory_space<hbm>> -> memref<1x1x1x120xi32, #tpu.memory_space<hbm>>
        %dma_wait3A_208 = tpu.memref_squeeze %dma_wait3A_207 : memref<1x1x1x120xi32, #tpu.memory_space<hbm>> -> memref<1x120xi32, #tpu.memory_space<hbm>>
        tpu.wait_dma2 semaphore(%arg20 : memref<!tpu.dma_semaphore, #tpu.memory_space<semaphore_mem>>) src(%dma_wait3A_208 : memref<1x120xi32, #tpu.memory_space<hbm>>) dst(%arg9 : memref<1x120xi32, #tpu.memory_space<vmem>>)
        %run_scoped3A_209 = arith.constant 0 : i32
        "tpu.region"() ({
          %run_scoped3A_217 = tpu.sem_alloc : memref<!tpu.dma_semaphore, #tpu.memory_space<semaphore_mem>>
          %dma_start3A_218 = arith.constant 0 : i32
          %dma_start3A_219 = tpu.memref_slice %arg9[%run_scoped3A_209, %dma_start3A_218] : memref<1x120xi32, #tpu.memory_space<vmem>> -> memref<1x120xi32, #tpu.memory_space<vmem>>
          %dma_start3A_220 = tpu.memref_squeeze %dma_start3A_219 : memref<1x120xi32, #tpu.memory_space<vmem>> -> memref<120xi32, #tpu.memory_space<vmem>>
          %dma_start3A_221 = arith.constant 0 : i32
          %dma_start3A_222 = arith.constant 0 : i32
          %dma_start3A_223 = tpu.memref_slice %arg14[%dma_start3A_221, %dma_start3A_222] : memref<10000x128xf32, #tpu.memory_space<vmem_shared>> -> memref<10000x128xf32, #tpu.memory_space<vmem_shared>>
          tpu.enqueue_indirect_dma source(%arg13 : memref<120x128xf32, #tpu.memory_space<vmem>>) target(%dma_start3A_223 : memref<10000x128xf32, #tpu.memory_space<vmem_shared>>) offsets(%dma_start3A_220 : memref<120xi32, #tpu.memory_space<vmem>>) semaphore(%run_scoped3A_217 : memref<!tpu.dma_semaphore, #tpu.memory_space<semaphore_mem>>) {add = true}
          %dma_wait3A_224 = arith.constant 0 : i32
          %dma_wait3A_225 = tpu.memref_slice %arg9[%run_scoped3A_209, %dma_wait3A_224] : memref<1x120xi32, #tpu.memory_space<vmem>> -> memref<1x120xi32, #tpu.memory_space<vmem>>
          %dma_wait3A_226 = tpu.memref_squeeze %dma_wait3A_225 : memref<1x120xi32, #tpu.memory_space<vmem>> -> memref<120xi32, #tpu.memory_space<vmem>>
          %dma_wait3A_227 = arith.constant 0 : i32
          %dma_wait3A_228 = arith.constant 0 : i32
          %dma_wait3A_229 = tpu.memref_slice %arg14[%dma_wait3A_227, %dma_wait3A_228] : memref<10000x128xf32, #tpu.memory_space<vmem_shared>> -> memref<10000x128xf32, #tpu.memory_space<vmem_shared>>
          tpu.wait_indirect_dma semaphore(%run_scoped3A_217 : memref<!tpu.dma_semaphore, #tpu.memory_space<semaphore_mem>>) src(%arg13 : memref<120x128xf32, #tpu.memory_space<vmem>>) dst(%dma_wait3A_229 : memref<10000x128xf32, #tpu.memory_space<vmem_shared>>)
          tpu.yield
        }) : () -> ()
        %add3A_210 = arith.constant 3 : i32
        %add3A_211 = arith.addi %add3A_188, %add3A_210 : i32
        %lt3A_212 = arith.constant 83 : i32
        %lt3A_213 = arith.cmpi slt, %add3A_211, %lt3A_212 : i32
        %convert_element_type3A_214 = arith.extui %lt3A_213 : i1 to i32
        %cond3A_215 = arith.constant 0 : i32
        %cond3A_216 = arith.cmpi ne, %convert_element_type3A_214, %cond3A_215 : i32
        scf.if %cond3A_216 {
          %add3A_217 = arith.constant 3 : i32
          %add3A_218 = arith.addi %add3A_188, %add3A_217 : i32
          %mul3A_219 = arith.constant 120 : i32
          %mul3A_220 = arith.muli %add3A_218, %mul3A_219 : i32
          %add3A_221 = arith.addi %mul3A_2, %mul3A_220 : i32
          %dma_start3A_222 = arith.constant 0 : i32
          %dma_start3A_223 = tpu.memref_slice %arg2[%add3A_221, %dma_start3A_222] : memref<320000x128xf32, #tpu.memory_space<hbm>> -> memref<120x128xf32, #tpu.memory_space<hbm>>
          %dma_start3A_224 = arith.constant 0 : i32
          %dma_start3A_225 = tpu.memref_slice %arg2[%add3A_221, %dma_start3A_224] : memref<320000x128xf32, #tpu.memory_space<hbm>> -> memref<120x128xf32, #tpu.memory_space<hbm>>
          tpu.enqueue_dma source(%dma_start3A_225 : memref<120x128xf32, #tpu.memory_space<hbm>>) target(%arg13 : memref<120x128xf32, #tpu.memory_space<vmem>>) target_semaphore(%arg17 : memref<!tpu.dma_semaphore, #tpu.memory_space<semaphore_mem>>)
          %dma_start3A_226 = arith.constant 0 : i32
          %dma_start3A_227 = arith.constant 0 : i32
          %dma_start3A_228 = tpu.memref_slice %arg3[%add3A, %add3A_218, %dma_start3A_226, %dma_start3A_227] : memref<32x83x1x120xi32, #tpu.memory_space<hbm>> -> memref<1x1x1x120xi32, #tpu.memory_space<hbm>>
          %dma_start3A_229 = tpu.memref_squeeze %dma_start3A_228 : memref<1x1x1x120xi32, #tpu.memory_space<hbm>> -> memref<1x120xi32, #tpu.memory_space<hbm>>
          %dma_start3A_230 = arith.constant 0 : i32
          %dma_start3A_231 = arith.constant 0 : i32
          %dma_start3A_232 = tpu.memref_slice %arg3[%add3A, %add3A_218, %dma_start3A_230, %dma_start3A_231] : memref<32x83x1x120xi32, #tpu.memory_space<hbm>> -> memref<1x1x1x120xi32, #tpu.memory_space<hbm>>
          %dma_start3A_233 = tpu.memref_squeeze %dma_start3A_232 : memref<1x1x1x120xi32, #tpu.memory_space<hbm>> -> memref<1x120xi32, #tpu.memory_space<hbm>>
          tpu.enqueue_dma source(%dma_start3A_233 : memref<1x120xi32, #tpu.memory_space<hbm>>) target(%arg9 : memref<1x120xi32, #tpu.memory_space<vmem>>) target_semaphore(%arg20 : memref<!tpu.dma_semaphore, #tpu.memory_space<semaphore_mem>>)
        } else {
        }
      } else {
      }
      %scan3A_194 = arith.constant 0 : i32
      scf.yield %scan3A_194 : i32
    }
    %scan3A_105 = arith.constant 28 : i32
    %add3A_106 = arith.constant 9960 : i32
    %add3A_107 = arith.addi %mul3A_2, %add3A_106 : i32
    "tpu.region"() ({
      %run_scoped3A_165 = tpu.sem_alloc : memref<!tpu.dma_semaphore, #tpu.memory_space<semaphore_mem>>
      %dma_start3A_166 = arith.constant 0 : i32
      %dma_start3A_167 = arith.constant 0 : i32
      %dma_start3A_168 = tpu.memref_slice %arg11[%dma_start3A_166, %dma_start3A_167] : memref<120x128xf32, #tpu.memory_space<vmem>> -> memref<40x128xf32, #tpu.memory_space<vmem>>
      %dma_start3A_169 = arith.constant 0 : i32
      %dma_start3A_170 = tpu.memref_slice %arg2[%add3A_107, %dma_start3A_169] : memref<320000x128xf32, #tpu.memory_space<hbm>> -> memref<40x128xf32, #tpu.memory_space<hbm>>
      %dma_start3A_171 = arith.constant 0 : i32
      %dma_start3A_172 = arith.constant 0 : i32
      %dma_start3A_173 = tpu.memref_slice %arg11[%dma_start3A_171, %dma_start3A_172] : memref<120x128xf32, #tpu.memory_space<vmem>> -> memref<40x128xf32, #tpu.memory_space<vmem>>
      %dma_start3A_174 = arith.constant 0 : i32
      %dma_start3A_175 = tpu.memref_slice %arg2[%add3A_107, %dma_start3A_174] : memref<320000x128xf32, #tpu.memory_space<hbm>> -> memref<40x128xf32, #tpu.memory_space<hbm>>
      tpu.enqueue_dma source(%dma_start3A_175 : memref<40x128xf32, #tpu.memory_space<hbm>>) target(%dma_start3A_173 : memref<40x128xf32, #tpu.memory_space<vmem>>) target_semaphore(%run_scoped3A_165 : memref<!tpu.dma_semaphore, #tpu.memory_space<semaphore_mem>>)
      %dma_wait3A = arith.constant 0 : i32
      %dma_wait3A_176 = arith.constant 0 : i32
      %dma_wait3A_177 = tpu.memref_slice %arg11[%dma_wait3A, %dma_wait3A_176] : memref<120x128xf32, #tpu.memory_space<vmem>> -> memref<40x128xf32, #tpu.memory_space<vmem>>
      %dma_wait3A_178 = arith.constant 0 : i32
      %dma_wait3A_179 = tpu.memref_slice %arg2[%add3A_107, %dma_wait3A_178] : memref<320000x128xf32, #tpu.memory_space<hbm>> -> memref<40x128xf32, #tpu.memory_space<hbm>>
      %dma_wait3A_180 = arith.constant 0 : i32
      %dma_wait3A_181 = arith.constant 0 : i32
      %dma_wait3A_182 = tpu.memref_slice %arg11[%dma_wait3A_180, %dma_wait3A_181] : memref<120x128xf32, #tpu.memory_space<vmem>> -> memref<40x128xf32, #tpu.memory_space<vmem>>
      %dma_wait3A_183 = arith.constant 0 : i32
      %dma_wait3A_184 = tpu.memref_slice %arg2[%add3A_107, %dma_wait3A_183] : memref<320000x128xf32, #tpu.memory_space<hbm>> -> memref<40x128xf32, #tpu.memory_space<hbm>>
      tpu.wait_dma2 semaphore(%run_scoped3A_165 : memref<!tpu.dma_semaphore, #tpu.memory_space<semaphore_mem>>) src(%dma_wait3A_184 : memref<40x128xf32, #tpu.memory_space<hbm>>) dst(%dma_wait3A_182 : memref<40x128xf32, #tpu.memory_space<vmem>>)
      tpu.yield
    }) : () -> ()
    %run_scoped3A = arith.constant 0 : i32
    "tpu.region"() ({
      %run_scoped3A_165 = tpu.sem_alloc : memref<!tpu.dma_semaphore, #tpu.memory_space<semaphore_mem>>
      %dma_start3A_166 = arith.constant 0 : i32
      %dma_start3A_167 = arith.constant 0 : i32
      %dma_start3A_168 = tpu.memref_slice %arg11[%dma_start3A_166, %dma_start3A_167] : memref<120x128xf32, #tpu.memory_space<vmem>> -> memref<40x128xf32, #tpu.memory_space<vmem>>
      %dma_start3A_169 = arith.constant 0 : i32
      %dma_start3A_170 = tpu.memref_slice %arg10[%run_scoped3A, %dma_start3A_169] : memref<1x40xi32, #tpu.memory_space<vmem>> -> memref<1x40xi32, #tpu.memory_space<vmem>>
      %dma_start3A_171 = tpu.memref_squeeze %dma_start3A_170 : memref<1x40xi32, #tpu.memory_space<vmem>> -> memref<40xi32, #tpu.memory_space<vmem>>
      %dma_start3A_172 = arith.constant 0 : i32
      %dma_start3A_173 = arith.constant 0 : i32
      %dma_start3A_174 = tpu.memref_slice %arg14[%dma_start3A_172, %dma_start3A_173] : memref<10000x128xf32, #tpu.memory_space<vmem_shared>> -> memref<10000x128xf32, #tpu.memory_space<vmem_shared>>
      tpu.enqueue_indirect_dma source(%dma_start3A_168 : memref<40x128xf32, #tpu.memory_space<vmem>>) target(%dma_start3A_174 : memref<10000x128xf32, #tpu.memory_space<vmem_shared>>) offsets(%dma_start3A_171 : memref<40xi32, #tpu.memory_space<vmem>>) semaphore(%run_scoped3A_165 : memref<!tpu.dma_semaphore, #tpu.memory_space<semaphore_mem>>) {add = true}
      %dma_wait3A = arith.constant 0 : i32
      %dma_wait3A_175 = arith.constant 0 : i32
      %dma_wait3A_176 = tpu.memref_slice %arg11[%dma_wait3A, %dma_wait3A_175] : memref<120x128xf32, #tpu.memory_space<vmem>> -> memref<40x128xf32, #tpu.memory_space<vmem>>
      %dma_wait3A_177 = arith.constant 0 : i32
      %dma_wait3A_178 = tpu.memref_slice %arg10[%run_scoped3A, %dma_wait3A_177] : memref<1x40xi32, #tpu.memory_space<vmem>> -> memref<1x40xi32, #tpu.memory_space<vmem>>
      %dma_wait3A_179 = tpu.memref_squeeze %dma_wait3A_178 : memref<1x40xi32, #tpu.memory_space<vmem>> -> memref<40xi32, #tpu.memory_space<vmem>>
      %dma_wait3A_180 = arith.constant 0 : i32
      %dma_wait3A_181 = arith.constant 0 : i32
      %dma_wait3A_182 = tpu.memref_slice %arg14[%dma_wait3A_180, %dma_wait3A_181] : memref<10000x128xf32, #tpu.memory_space<vmem_shared>> -> memref<10000x128xf32, #tpu.memory_space<vmem_shared>>
      tpu.wait_indirect_dma semaphore(%run_scoped3A_165 : memref<!tpu.dma_semaphore, #tpu.memory_space<semaphore_mem>>) src(%dma_wait3A_176 : memref<40x128xf32, #tpu.memory_space<vmem>>) dst(%dma_wait3A_182 : memref<10000x128xf32, #tpu.memory_space<vmem_shared>>)
      tpu.yield
    }) : () -> ()
    %barrier3A_108 = arith.constant 0 : index
    tpu.barrier barrier_id(%barrier3A_108)
    %add3A_109 = arith.constant 0 : i32
    %add3A_110 = arith.addi %arg1, %add3A_109 : i32
    %lt3A_111 = arith.constant 125 : i32
    %lt3A_112 = arith.cmpi slt, %add3A_110, %lt3A_111 : i32
    %convert_element_type3A_113 = arith.extui %lt3A_112 : i1 to i32
    %cond3A_114 = arith.constant 0 : i32
    %cond3A_115 = arith.cmpi ne, %convert_element_type3A_113, %cond3A_114 : i32
    scf.if %cond3A_115 {
      %mul3A_165 = arith.constant 80 : i32
      %mul3A_166 = arith.muli %add3A_110, %mul3A_165 : i32
      %mul3A_167 = arith.constant 80 : i32
      %mul3A_168 = arith.muli %add3A_110, %mul3A_167 : i32
      "tpu.region"() ({
        %run_scoped3A_169 = tpu.sem_alloc : memref<!tpu.dma_semaphore, #tpu.memory_space<semaphore_mem>>
        %dma_start3A_170 = arith.constant 0 : i32
        %dma_start3A_171 = tpu.memref_slice %arg6[%arg0, %mul3A_168, %dma_start3A_170] : memref<2x10000x128xf32, #tpu.memory_space<hbm>> -> memref<1x80x128xf32, #tpu.memory_space<hbm>>
        %dma_start3A_172 = tpu.memref_squeeze %dma_start3A_171 : memref<1x80x128xf32, #tpu.memory_space<hbm>> -> memref<80x128xf32, #tpu.memory_space<hbm>>
        %dma_start3A_173 = arith.constant 0 : i32
        %dma_start3A_174 = tpu.memref_slice %arg14[%mul3A_166, %dma_start3A_173] : memref<10000x128xf32, #tpu.memory_space<vmem_shared>> -> memref<80x128xf32, #tpu.memory_space<vmem_shared>>
        tpu.enqueue_dma source(%dma_start3A_174 : memref<80x128xf32, #tpu.memory_space<vmem_shared>>) target(%dma_start3A_172 : memref<80x128xf32, #tpu.memory_space<hbm>>) target_semaphore(%run_scoped3A_169 : memref<!tpu.dma_semaphore, #tpu.memory_space<semaphore_mem>>)
        %dma_wait3A = arith.constant 0 : i32
        %dma_wait3A_175 = tpu.memref_slice %arg6[%arg0, %mul3A_168, %dma_wait3A] : memref<2x10000x128xf32, #tpu.memory_space<hbm>> -> memref<1x80x128xf32, #tpu.memory_space<hbm>>
        %dma_wait3A_176 = tpu.memref_squeeze %dma_wait3A_175 : memref<1x80x128xf32, #tpu.memory_space<hbm>> -> memref<80x128xf32, #tpu.memory_space<hbm>>
        %dma_wait3A_177 = arith.constant 0 : i32
        %dma_wait3A_178 = tpu.memref_slice %arg14[%mul3A_166, %dma_wait3A_177] : memref<10000x128xf32, #tpu.memory_space<vmem_shared>> -> memref<80x128xf32, #tpu.memory_space<vmem_shared>>
        tpu.wait_dma2 semaphore(%run_scoped3A_169 : memref<!tpu.dma_semaphore, #tpu.memory_space<semaphore_mem>>) src(%dma_wait3A_178 : memref<80x128xf32, #tpu.memory_space<vmem_shared>>) dst(%dma_wait3A_176 : memref<80x128xf32, #tpu.memory_space<hbm>>)
        tpu.yield
      }) : () -> ()
    } else {
    }
    %add3A_116 = arith.constant 16 : i32
    %add3A_117 = arith.addi %arg1, %add3A_116 : i32
    %lt3A_118 = arith.constant 125 : i32
    %lt3A_119 = arith.cmpi slt, %add3A_117, %lt3A_118 : i32
    %convert_element_type3A_120 = arith.extui %lt3A_119 : i1 to i32
    %cond3A_121 = arith.constant 0 : i32
    %cond3A_122 = arith.cmpi ne, %convert_element_type3A_120, %cond3A_121 : i32
    scf.if %cond3A_122 {
      %mul3A_165 = arith.constant 80 : i32
      %mul3A_166 = arith.muli %add3A_117, %mul3A_165 : i32
      %mul3A_167 = arith.constant 80 : i32
      %mul3A_168 = arith.muli %add3A_117, %mul3A_167 : i32
      "tpu.region"() ({
        %run_scoped3A_169 = tpu.sem_alloc : memref<!tpu.dma_semaphore, #tpu.memory_space<semaphore_mem>>
        %dma_start3A_170 = arith.constant 0 : i32
        %dma_start3A_171 = tpu.memref_slice %arg6[%arg0, %mul3A_168, %dma_start3A_170] : memref<2x10000x128xf32, #tpu.memory_space<hbm>> -> memref<1x80x128xf32, #tpu.memory_space<hbm>>
        %dma_start3A_172 = tpu.memref_squeeze %dma_start3A_171 : memref<1x80x128xf32, #tpu.memory_space<hbm>> -> memref<80x128xf32, #tpu.memory_space<hbm>>
        %dma_start3A_173 = arith.constant 0 : i32
        %dma_start3A_174 = tpu.memref_slice %arg14[%mul3A_166, %dma_start3A_173] : memref<10000x128xf32, #tpu.memory_space<vmem_shared>> -> memref<80x128xf32, #tpu.memory_space<vmem_shared>>
        tpu.enqueue_dma source(%dma_start3A_174 : memref<80x128xf32, #tpu.memory_space<vmem_shared>>) target(%dma_start3A_172 : memref<80x128xf32, #tpu.memory_space<hbm>>) target_semaphore(%run_scoped3A_169 : memref<!tpu.dma_semaphore, #tpu.memory_space<semaphore_mem>>)
        %dma_wait3A = arith.constant 0 : i32
        %dma_wait3A_175 = tpu.memref_slice %arg6[%arg0, %mul3A_168, %dma_wait3A] : memref<2x10000x128xf32, #tpu.memory_space<hbm>> -> memref<1x80x128xf32, #tpu.memory_space<hbm>>
        %dma_wait3A_176 = tpu.memref_squeeze %dma_wait3A_175 : memref<1x80x128xf32, #tpu.memory_space<hbm>> -> memref<80x128xf32, #tpu.memory_space<hbm>>
        %dma_wait3A_177 = arith.constant 0 : i32
        %dma_wait3A_178 = tpu.memref_slice %arg14[%mul3A_166, %dma_wait3A_177] : memref<10000x128xf32, #tpu.memory_space<vmem_shared>> -> memref<80x128xf32, #tpu.memory_space<vmem_shared>>
        tpu.wait_dma2 semaphore(%run_scoped3A_169 : memref<!tpu.dma_semaphore, #tpu.memory_space<semaphore_mem>>) src(%dma_wait3A_178 : memref<80x128xf32, #tpu.memory_space<vmem_shared>>) dst(%dma_wait3A_176 : memref<80x128xf32, #tpu.memory_space<hbm>>)
        tpu.yield
      }) : () -> ()
    } else {
    }
    %add3A_123 = arith.constant 32 : i32
    %add3A_124 = arith.addi %arg1, %add3A_123 : i32
    %lt3A_125 = arith.constant 125 : i32
    %lt3A_126 = arith.cmpi slt, %add3A_124, %lt3A_125 : i32
    %convert_element_type3A_127 = arith.extui %lt3A_126 : i1 to i32
    %cond3A_128 = arith.constant 0 : i32
    %cond3A_129 = arith.cmpi ne, %convert_element_type3A_127, %cond3A_128 : i32
    scf.if %cond3A_129 {
      %mul3A_165 = arith.constant 80 : i32
      %mul3A_166 = arith.muli %add3A_124, %mul3A_165 : i32
      %mul3A_167 = arith.constant 80 : i32
      %mul3A_168 = arith.muli %add3A_124, %mul3A_167 : i32
      "tpu.region"() ({
        %run_scoped3A_169 = tpu.sem_alloc : memref<!tpu.dma_semaphore, #tpu.memory_space<semaphore_mem>>
        %dma_start3A_170 = arith.constant 0 : i32
        %dma_start3A_171 = tpu.memref_slice %arg6[%arg0, %mul3A_168, %dma_start3A_170] : memref<2x10000x128xf32, #tpu.memory_space<hbm>> -> memref<1x80x128xf32, #tpu.memory_space<hbm>>
        %dma_start3A_172 = tpu.memref_squeeze %dma_start3A_171 : memref<1x80x128xf32, #tpu.memory_space<hbm>> -> memref<80x128xf32, #tpu.memory_space<hbm>>
        %dma_start3A_173 = arith.constant 0 : i32
        %dma_start3A_174 = tpu.memref_slice %arg14[%mul3A_166, %dma_start3A_173] : memref<10000x128xf32, #tpu.memory_space<vmem_shared>> -> memref<80x128xf32, #tpu.memory_space<vmem_shared>>
        tpu.enqueue_dma source(%dma_start3A_174 : memref<80x128xf32, #tpu.memory_space<vmem_shared>>) target(%dma_start3A_172 : memref<80x128xf32, #tpu.memory_space<hbm>>) target_semaphore(%run_scoped3A_169 : memref<!tpu.dma_semaphore, #tpu.memory_space<semaphore_mem>>)
        %dma_wait3A = arith.constant 0 : i32
        %dma_wait3A_175 = tpu.memref_slice %arg6[%arg0, %mul3A_168, %dma_wait3A] : memref<2x10000x128xf32, #tpu.memory_space<hbm>> -> memref<1x80x128xf32, #tpu.memory_space<hbm>>
        %dma_wait3A_176 = tpu.memref_squeeze %dma_wait3A_175 : memref<1x80x128xf32, #tpu.memory_space<hbm>> -> memref<80x128xf32, #tpu.memory_space<hbm>>
        %dma_wait3A_177 = arith.constant 0 : i32
        %dma_wait3A_178 = tpu.memref_slice %arg14[%mul3A_166, %dma_wait3A_177] : memref<10000x128xf32, #tpu.memory_space<vmem_shared>> -> memref<80x128xf32, #tpu.memory_space<vmem_shared>>
        tpu.wait_dma2 semaphore(%run_scoped3A_169 : memref<!tpu.dma_semaphore, #tpu.memory_space<semaphore_mem>>) src(%dma_wait3A_178 : memref<80x128xf32, #tpu.memory_space<vmem_shared>>) dst(%dma_wait3A_176 : memref<80x128xf32, #tpu.memory_space<hbm>>)
        tpu.yield
      }) : () -> ()
    } else {
    }
    %add3A_130 = arith.constant 48 : i32
    %add3A_131 = arith.addi %arg1, %add3A_130 : i32
    %lt3A_132 = arith.constant 125 : i32
    %lt3A_133 = arith.cmpi slt, %add3A_131, %lt3A_132 : i32
    %convert_element_type3A_134 = arith.extui %lt3A_133 : i1 to i32
    %cond3A_135 = arith.constant 0 : i32
    %cond3A_136 = arith.cmpi ne, %convert_element_type3A_134, %cond3A_135 : i32
    scf.if %cond3A_136 {
      %mul3A_165 = arith.constant 80 : i32
      %mul3A_166 = arith.muli %add3A_131, %mul3A_165 : i32
      %mul3A_167 = arith.constant 80 : i32
      %mul3A_168 = arith.muli %add3A_131, %mul3A_167 : i32
      "tpu.region"() ({
        %run_scoped3A_169 = tpu.sem_alloc : memref<!tpu.dma_semaphore, #tpu.memory_space<semaphore_mem>>
        %dma_start3A_170 = arith.constant 0 : i32
        %dma_start3A_171 = tpu.memref_slice %arg6[%arg0, %mul3A_168, %dma_start3A_170] : memref<2x10000x128xf32, #tpu.memory_space<hbm>> -> memref<1x80x128xf32, #tpu.memory_space<hbm>>
        %dma_start3A_172 = tpu.memref_squeeze %dma_start3A_171 : memref<1x80x128xf32, #tpu.memory_space<hbm>> -> memref<80x128xf32, #tpu.memory_space<hbm>>
        %dma_start3A_173 = arith.constant 0 : i32
        %dma_start3A_174 = tpu.memref_slice %arg14[%mul3A_166, %dma_start3A_173] : memref<10000x128xf32, #tpu.memory_space<vmem_shared>> -> memref<80x128xf32, #tpu.memory_space<vmem_shared>>
        tpu.enqueue_dma source(%dma_start3A_174 : memref<80x128xf32, #tpu.memory_space<vmem_shared>>) target(%dma_start3A_172 : memref<80x128xf32, #tpu.memory_space<hbm>>) target_semaphore(%run_scoped3A_169 : memref<!tpu.dma_semaphore, #tpu.memory_space<semaphore_mem>>)
        %dma_wait3A = arith.constant 0 : i32
        %dma_wait3A_175 = tpu.memref_slice %arg6[%arg0, %mul3A_168, %dma_wait3A] : memref<2x10000x128xf32, #tpu.memory_space<hbm>> -> memref<1x80x128xf32, #tpu.memory_space<hbm>>
        %dma_wait3A_176 = tpu.memref_squeeze %dma_wait3A_175 : memref<1x80x128xf32, #tpu.memory_space<hbm>> -> memref<80x128xf32, #tpu.memory_space<hbm>>
        %dma_wait3A_177 = arith.constant 0 : i32
        %dma_wait3A_178 = tpu.memref_slice %arg14[%mul3A_166, %dma_wait3A_177] : memref<10000x128xf32, #tpu.memory_space<vmem_shared>> -> memref<80x128xf32, #tpu.memory_space<vmem_shared>>
        tpu.wait_dma2 semaphore(%run_scoped3A_169 : memref<!tpu.dma_semaphore, #tpu.memory_space<semaphore_mem>>) src(%dma_wait3A_178 : memref<80x128xf32, #tpu.memory_space<vmem_shared>>) dst(%dma_wait3A_176 : memref<80x128xf32, #tpu.memory_space<hbm>>)
        tpu.yield
      }) : () -> ()
    } else {
    }
    %add3A_137 = arith.constant 64 : i32
    %add3A_138 = arith.addi %arg1, %add3A_137 : i32
    %lt3A_139 = arith.constant 125 : i32
    %lt3A_140 = arith.cmpi slt, %add3A_138, %lt3A_139 : i32
    %convert_element_type3A_141 = arith.extui %lt3A_140 : i1 to i32
    %cond3A_142 = arith.constant 0 : i32
    %cond3A_143 = arith.cmpi ne, %convert_element_type3A_141, %cond3A_142 : i32
    scf.if %cond3A_143 {
      %mul3A_165 = arith.constant 80 : i32
      %mul3A_166 = arith.muli %add3A_138, %mul3A_165 : i32
      %mul3A_167 = arith.constant 80 : i32
      %mul3A_168 = arith.muli %add3A_138, %mul3A_167 : i32
      "tpu.region"() ({
        %run_scoped3A_169 = tpu.sem_alloc : memref<!tpu.dma_semaphore, #tpu.memory_space<semaphore_mem>>
        %dma_start3A_170 = arith.constant 0 : i32
        %dma_start3A_171 = tpu.memref_slice %arg6[%arg0, %mul3A_168, %dma_start3A_170] : memref<2x10000x128xf32, #tpu.memory_space<hbm>> -> memref<1x80x128xf32, #tpu.memory_space<hbm>>
        %dma_start3A_172 = tpu.memref_squeeze %dma_start3A_171 : memref<1x80x128xf32, #tpu.memory_space<hbm>> -> memref<80x128xf32, #tpu.memory_space<hbm>>
        %dma_start3A_173 = arith.constant 0 : i32
        %dma_start3A_174 = tpu.memref_slice %arg14[%mul3A_166, %dma_start3A_173] : memref<10000x128xf32, #tpu.memory_space<vmem_shared>> -> memref<80x128xf32, #tpu.memory_space<vmem_shared>>
        tpu.enqueue_dma source(%dma_start3A_174 : memref<80x128xf32, #tpu.memory_space<vmem_shared>>) target(%dma_start3A_172 : memref<80x128xf32, #tpu.memory_space<hbm>>) target_semaphore(%run_scoped3A_169 : memref<!tpu.dma_semaphore, #tpu.memory_space<semaphore_mem>>)
        %dma_wait3A = arith.constant 0 : i32
        %dma_wait3A_175 = tpu.memref_slice %arg6[%arg0, %mul3A_168, %dma_wait3A] : memref<2x10000x128xf32, #tpu.memory_space<hbm>> -> memref<1x80x128xf32, #tpu.memory_space<hbm>>
        %dma_wait3A_176 = tpu.memref_squeeze %dma_wait3A_175 : memref<1x80x128xf32, #tpu.memory_space<hbm>> -> memref<80x128xf32, #tpu.memory_space<hbm>>
        %dma_wait3A_177 = arith.constant 0 : i32
        %dma_wait3A_178 = tpu.memref_slice %arg14[%mul3A_166, %dma_wait3A_177] : memref<10000x128xf32, #tpu.memory_space<vmem_shared>> -> memref<80x128xf32, #tpu.memory_space<vmem_shared>>
        tpu.wait_dma2 semaphore(%run_scoped3A_169 : memref<!tpu.dma_semaphore, #tpu.memory_space<semaphore_mem>>) src(%dma_wait3A_178 : memref<80x128xf32, #tpu.memory_space<vmem_shared>>) dst(%dma_wait3A_176 : memref<80x128xf32, #tpu.memory_space<hbm>>)
        tpu.yield
      }) : () -> ()
    } else {
    }
    %add3A_144 = arith.constant 80 : i32
    %add3A_145 = arith.addi %arg1, %add3A_144 : i32
    %lt3A_146 = arith.constant 125 : i32
    %lt3A_147 = arith.cmpi slt, %add3A_145, %lt3A_146 : i32
    %convert_element_type3A_148 = arith.extui %lt3A_147 : i1 to i32
    %cond3A_149 = arith.constant 0 : i32
    %cond3A_150 = arith.cmpi ne, %convert_element_type3A_148, %cond3A_149 : i32
    scf.if %cond3A_150 {
      %mul3A_165 = arith.constant 80 : i32
      %mul3A_166 = arith.muli %add3A_145, %mul3A_165 : i32
      %mul3A_167 = arith.constant 80 : i32
      %mul3A_168 = arith.muli %add3A_145, %mul3A_167 : i32
      "tpu.region"() ({
        %run_scoped3A_169 = tpu.sem_alloc : memref<!tpu.dma_semaphore, #tpu.memory_space<semaphore_mem>>
        %dma_start3A_170 = arith.constant 0 : i32
        %dma_start3A_171 = tpu.memref_slice %arg6[%arg0, %mul3A_168, %dma_start3A_170] : memref<2x10000x128xf32, #tpu.memory_space<hbm>> -> memref<1x80x128xf32, #tpu.memory_space<hbm>>
        %dma_start3A_172 = tpu.memref_squeeze %dma_start3A_171 : memref<1x80x128xf32, #tpu.memory_space<hbm>> -> memref<80x128xf32, #tpu.memory_space<hbm>>
        %dma_start3A_173 = arith.constant 0 : i32
        %dma_start3A_174 = tpu.memref_slice %arg14[%mul3A_166, %dma_start3A_173] : memref<10000x128xf32, #tpu.memory_space<vmem_shared>> -> memref<80x128xf32, #tpu.memory_space<vmem_shared>>
        tpu.enqueue_dma source(%dma_start3A_174 : memref<80x128xf32, #tpu.memory_space<vmem_shared>>) target(%dma_start3A_172 : memref<80x128xf32, #tpu.memory_space<hbm>>) target_semaphore(%run_scoped3A_169 : memref<!tpu.dma_semaphore, #tpu.memory_space<semaphore_mem>>)
        %dma_wait3A = arith.constant 0 : i32
        %dma_wait3A_175 = tpu.memref_slice %arg6[%arg0, %mul3A_168, %dma_wait3A] : memref<2x10000x128xf32, #tpu.memory_space<hbm>> -> memref<1x80x128xf32, #tpu.memory_space<hbm>>
        %dma_wait3A_176 = tpu.memref_squeeze %dma_wait3A_175 : memref<1x80x128xf32, #tpu.memory_space<hbm>> -> memref<80x128xf32, #tpu.memory_space<hbm>>
        %dma_wait3A_177 = arith.constant 0 : i32
        %dma_wait3A_178 = tpu.memref_slice %arg14[%mul3A_166, %dma_wait3A_177] : memref<10000x128xf32, #tpu.memory_space<vmem_shared>> -> memref<80x128xf32, #tpu.memory_space<vmem_shared>>
        tpu.wait_dma2 semaphore(%run_scoped3A_169 : memref<!tpu.dma_semaphore, #tpu.memory_space<semaphore_mem>>) src(%dma_wait3A_178 : memref<80x128xf32, #tpu.memory_space<vmem_shared>>) dst(%dma_wait3A_176 : memref<80x128xf32, #tpu.memory_space<hbm>>)
        tpu.yield
      }) : () -> ()
    } else {
    }
    %add3A_151 = arith.constant 96 : i32
    %add3A_152 = arith.addi %arg1, %add3A_151 : i32
    %lt3A_153 = arith.constant 125 : i32
    %lt3A_154 = arith.cmpi slt, %add3A_152, %lt3A_153 : i32
    %convert_element_type3A_155 = arith.extui %lt3A_154 : i1 to i32
    %cond3A_156 = arith.constant 0 : i32
    %cond3A_157 = arith.cmpi ne, %convert_element_type3A_155, %cond3A_156 : i32
    scf.if %cond3A_157 {
      %mul3A_165 = arith.constant 80 : i32
      %mul3A_166 = arith.muli %add3A_152, %mul3A_165 : i32
      %mul3A_167 = arith.constant 80 : i32
      %mul3A_168 = arith.muli %add3A_152, %mul3A_167 : i32
      "tpu.region"() ({
        %run_scoped3A_169 = tpu.sem_alloc : memref<!tpu.dma_semaphore, #tpu.memory_space<semaphore_mem>>
        %dma_start3A_170 = arith.constant 0 : i32
        %dma_start3A_171 = tpu.memref_slice %arg6[%arg0, %mul3A_168, %dma_start3A_170] : memref<2x10000x128xf32, #tpu.memory_space<hbm>> -> memref<1x80x128xf32, #tpu.memory_space<hbm>>
        %dma_start3A_172 = tpu.memref_squeeze %dma_start3A_171 : memref<1x80x128xf32, #tpu.memory_space<hbm>> -> memref<80x128xf32, #tpu.memory_space<hbm>>
        %dma_start3A_173 = arith.constant 0 : i32
        %dma_start3A_174 = tpu.memref_slice %arg14[%mul3A_166, %dma_start3A_173] : memref<10000x128xf32, #tpu.memory_space<vmem_shared>> -> memref<80x128xf32, #tpu.memory_space<vmem_shared>>
        tpu.enqueue_dma source(%dma_start3A_174 : memref<80x128xf32, #tpu.memory_space<vmem_shared>>) target(%dma_start3A_172 : memref<80x128xf32, #tpu.memory_space<hbm>>) target_semaphore(%run_scoped3A_169 : memref<!tpu.dma_semaphore, #tpu.memory_space<semaphore_mem>>)
        %dma_wait3A = arith.constant 0 : i32
        %dma_wait3A_175 = tpu.memref_slice %arg6[%arg0, %mul3A_168, %dma_wait3A] : memref<2x10000x128xf32, #tpu.memory_space<hbm>> -> memref<1x80x128xf32, #tpu.memory_space<hbm>>
        %dma_wait3A_176 = tpu.memref_squeeze %dma_wait3A_175 : memref<1x80x128xf32, #tpu.memory_space<hbm>> -> memref<80x128xf32, #tpu.memory_space<hbm>>
        %dma_wait3A_177 = arith.constant 0 : i32
        %dma_wait3A_178 = tpu.memref_slice %arg14[%mul3A_166, %dma_wait3A_177] : memref<10000x128xf32, #tpu.memory_space<vmem_shared>> -> memref<80x128xf32, #tpu.memory_space<vmem_shared>>
        tpu.wait_dma2 semaphore(%run_scoped3A_169 : memref<!tpu.dma_semaphore, #tpu.memory_space<semaphore_mem>>) src(%dma_wait3A_178 : memref<80x128xf32, #tpu.memory_space<vmem_shared>>) dst(%dma_wait3A_176 : memref<80x128xf32, #tpu.memory_space<hbm>>)
        tpu.yield
      }) : () -> ()
    } else {
    }
    %add3A_158 = arith.constant 112 : i32
    %add3A_159 = arith.addi %arg1, %add3A_158 : i32
    %lt3A_160 = arith.constant 125 : i32
    %lt3A_161 = arith.cmpi slt, %add3A_159, %lt3A_160 : i32
    %convert_element_type3A_162 = arith.extui %lt3A_161 : i1 to i32
    %cond3A_163 = arith.constant 0 : i32
    %cond3A_164 = arith.cmpi ne, %convert_element_type3A_162, %cond3A_163 : i32
    scf.if %cond3A_164 {
      %mul3A_165 = arith.constant 80 : i32
      %mul3A_166 = arith.muli %add3A_159, %mul3A_165 : i32
      %mul3A_167 = arith.constant 80 : i32
      %mul3A_168 = arith.muli %add3A_159, %mul3A_167 : i32
      "tpu.region"() ({
        %run_scoped3A_169 = tpu.sem_alloc : memref<!tpu.dma_semaphore, #tpu.memory_space<semaphore_mem>>
        %dma_start3A_170 = arith.constant 0 : i32
        %dma_start3A_171 = tpu.memref_slice %arg6[%arg0, %mul3A_168, %dma_start3A_170] : memref<2x10000x128xf32, #tpu.memory_space<hbm>> -> memref<1x80x128xf32, #tpu.memory_space<hbm>>
        %dma_start3A_172 = tpu.memref_squeeze %dma_start3A_171 : memref<1x80x128xf32, #tpu.memory_space<hbm>> -> memref<80x128xf32, #tpu.memory_space<hbm>>
        %dma_start3A_173 = arith.constant 0 : i32
        %dma_start3A_174 = tpu.memref_slice %arg14[%mul3A_166, %dma_start3A_173] : memref<10000x128xf32, #tpu.memory_space<vmem_shared>> -> memref<80x128xf32, #tpu.memory_space<vmem_shared>>
        tpu.enqueue_dma source(%dma_start3A_174 : memref<80x128xf32, #tpu.memory_space<vmem_shared>>) target(%dma_start3A_172 : memref<80x128xf32, #tpu.memory_space<hbm>>) target_semaphore(%run_scoped3A_169 : memref<!tpu.dma_semaphore, #tpu.memory_space<semaphore_mem>>)
        %dma_wait3A = arith.constant 0 : i32
        %dma_wait3A_175 = tpu.memref_slice %arg6[%arg0, %mul3A_168, %dma_wait3A] : memref<2x10000x128xf32, #tpu.memory_space<hbm>> -> memref<1x80x128xf32, #tpu.memory_space<hbm>>
        %dma_wait3A_176 = tpu.memref_squeeze %dma_wait3A_175 : memref<1x80x128xf32, #tpu.memory_space<hbm>> -> memref<80x128xf32, #tpu.memory_space<hbm>>
        %dma_wait3A_177 = arith.constant 0 : i32
        %dma_wait3A_178 = tpu.memref_slice %arg14[%mul3A_166, %dma_wait3A_177] : memref<10000x128xf32, #tpu.memory_space<vmem_shared>> -> memref<80x128xf32, #tpu.memory_space<vmem_shared>>
        tpu.wait_dma2 semaphore(%run_scoped3A_169 : memref<!tpu.dma_semaphore, #tpu.memory_space<semaphore_mem>>) src(%dma_wait3A_178 : memref<80x128xf32, #tpu.memory_space<vmem_shared>>) dst(%dma_wait3A_176 : memref<80x128xf32, #tpu.memory_space<hbm>>)
        tpu.yield
      }) : () -> ()
    } else {
    }
    return
  }
}

module attributes {stable_mosaic.version = 14 : i64} {
  func.func @_combine_body(%arg0: i32, %arg1: memref<2x5000x128xf32, #tpu.memory_space<vmem>>, %arg2: memref<5000x1xf32, #tpu.memory_space<vmem>>, %arg3: memref<5000x128xf32, #tpu.memory_space<vmem>>) attributes {dimension_semantics = [#tpu.dimension_semantics<arbitrary>], iteration_bounds = array<i64: 2>, scalar_prefetch = 0 : i64, scratch_operands = 0 : i64, tpu.core_type = #tpu.core_type<tc>, window_params = [{transform_indices = @transform_0, window_bounds = array<i64: 2, 5000, 128>}, {transform_indices = @transform_1, window_bounds = array<i64: 5000, 1>}, {transform_indices = @transform_2, window_bounds = array<i64: 5000, 128>}]} {
    %get3A = arith.constant 0 : index
    %get3A_0 = arith.constant 0 : index
    %get3A_1 = arith.constant 0 : index
    %get3A_2 = vector.load %arg1[%get3A, %get3A_0, %get3A_1] : memref<2x5000x128xf32, #tpu.memory_space<vmem>>, vector<1x5000x128xf32>
    %get3A_3 = vector.shape_cast %get3A_2 : vector<1x5000x128xf32> to vector<5000x128xf32>
    %get3A_4 = arith.constant 1 : index
    %get3A_5 = arith.constant 0 : index
    %get3A_6 = arith.constant 0 : index
    %get3A_7 = vector.load %arg1[%get3A_4, %get3A_5, %get3A_6] : memref<2x5000x128xf32, #tpu.memory_space<vmem>>, vector<1x5000x128xf32>
    %get3A_8 = vector.shape_cast %get3A_7 : vector<1x5000x128xf32> to vector<5000x128xf32>
    %add3A = arith.addf %get3A_3, %get3A_8 : vector<5000x128xf32>
    %get3A_9 = arith.constant 0 : index
    %get3A_10 = arith.constant 0 : index
    %get3A_11 = vector.load %arg2[%get3A_9, %get3A_10] : memref<5000x1xf32, #tpu.memory_space<vmem>>, vector<5000x1xf32>
    %div3A = vector.broadcast %get3A_11 : vector<5000x1xf32> to vector<5000x128xf32>
    %div3A_12 = arith.divf %add3A, %div3A : vector<5000x128xf32>
    %swap3A = arith.constant 0 : index
    %swap3A_13 = arith.constant 0 : index
    %swap3A_14 = vector.load %arg3[%swap3A, %swap3A_13] : memref<5000x128xf32, #tpu.memory_space<vmem>>, vector<5000x128xf32>
    tpu.vector_store %arg3[%swap3A, %swap3A_13], %div3A_12 {strides = array<i32>} : memref<5000x128xf32, #tpu.memory_space<vmem>>, vector<5000x128xf32>,
    return
  }
  func.func @transform_0(%arg0: i32) -> (i32, i32, i32) {
    %c0_i32 = arith.constant 0 : i32
    %c0_i32_0 = arith.constant 0 : i32
    %c0_i32_1 = arith.constant 0 : i32
    return %c0_i32, %arg0, %c0_i32_0 : i32, i32, i32
  }
  func.func @transform_1(%arg0: i32) -> (i32, i32) {
    %c0_i32 = arith.constant 0 : i32
    %c0_i32_0 = arith.constant 0 : i32
    return %arg0, %c0_i32 : i32, i32
  }
  func.func @transform_2(%arg0: i32) -> (i32, i32) {
    %c0_i32 = arith.constant 0 : i32
    %c0_i32_0 = arith.constant 0 : i32
    return %arg0, %c0_i32 : i32, i32
  }
}

</mosaic_0001>

<sc_bundles>
// kernel: kernel.4.cloned.1.call-start
scs
__scs_entry_jumppad:
0x0: {  	(pc) =	sbr.rel $0x88, $3  }
0x1: {  	(tag) =	ssettag $0x0;
	lr =	simm.s32 $0x1  }
0x2: {  	[smem:$0x3F9E] =	sst lr;
	_ =	strace $0xD0000000  }
0x3: {  	_ = 	snop  }
0x4: {  	_ = 	snop  }
0x5: {  	_ = 	snop  }
0x6: {  	_ = 	snop  }
0x7: {  	_ = 	snop  }
__scs_overlays_trampoline_lowered:
0x8: {  	[smem:$0x3FAD] =	sst s0  }
0x9: {  	[smem:$0x3FAE] =	sst s1  }
0xa: {  	[smem:$0x3FAF] =	sst s2  }
0xb: {  	[smem:$0x3FB0] =	sst s3  }
0xc: {  	[smem:$0x3FB1] =	sst s4  }
0xd: {  	[smem:$0x3FB2] =	sst s5  }
0xe: {  	[smem:$0x3FB3] =	sst s6  }
0xf: {  	[smem:$0x3FB4] =	sst s7  }
0x10: {  	[smem:$0x3FB5] =	sst s8  }
0x11: {  	[smem:$0x3FB6] =	sst s9;
	s0 =	simm.s32 @!p0 $0x0  }
0x12: {  	s1 =	sld [smem:$0x3F9C];
	s0 =	simm.s32 @p0 $0x1  }
0x13: {  	[smem:$0x3FB7] =	sst s0;
	s0 =	simm.s32 @!p1 $0x0  }
0x14: {  	s2 =	sld [smem:$0x3F9B];
	s0 =	simm.s32 @p1 $0x1  }
0x15: {  	[smem:$0x3FB8] =	sst s0;
	s0 =	simm.s32 @!p2 $0x0  }
0x16: {  	s3 =	sld [smem:$0x3FDB];
	s0 =	simm.s32 @p2 $0x1  }
0x17: {  	s4 =	simm.s32 $0x1BF5;
	[smem:$0x3FBA] =	sst s0  }
0x18: {  	s0 =	sld [smem:$0x3F9D];
	_ =	swait.ge [sflag:s4], $0x0  }
0x19: {  	s7 =	sld [smem:$0x3F9E]  }
0x1a: {  	s8 =	sadd.s32 $0xFFFFE003, lr  }
0x1b: {  	s9 =	sadd.s32 $0xFFFFFEF7, lr;
	s5 =	simm.s32 $0xFFFFFFFF;
	p2 =	slt.u32 s8, $0xFFFFF086  }
0x1c: {  	p1 =	slt.u32 s9, $0xF7A;
	s5 =	simm.s32 @!p2 $0x0  }
0x1d: {  	s5 =	simm.s32 @p1 $0x1;
	p0 =	seq.s32 s7, s2  }
0x1e: {  	s7 =	smul.u32 @!p0 $0xF7A, s2;
	p2 =	seq.s32 @!p0 s5, $0x0  }
0x1f: {  	s9 =	smul.u32 $0xF7A, s1;
	s8 =	simm.s32 @!p0 $0x1BF5;
	p2 =	por !p2, p0  }
0x20: {  	[sflag:s8] =	ssyncset.s32 @!p0 $0xFFFFF086;
	s6 =	sadd.s32 @!p0 s3, s7;
	s7 =	simm.s32 @!p0 $0x108  }
0x21: {  	s3 =	sadd.s32 s3, s9;
	s6 =	sadd.s32 @!p0 $0x88, s6;
	s7 =	simm.s32 @p2 $0x1082  }
0x22: {  	[simem:s7], [sflag:s8] =	dma.local @!p0 [hbm:s6], $0xF7A  }
0x23: {  	s9 =	sor.u32 $0xD0000000, s2;
	s6 =	simm.s32 $0x108;
	_ =	swait.ge @!p0 [sflag:s8], $0x0  }
0x24: {  	s3 =	sadd.s32 $0x88, s3;
	s6 =	simm.s32 @!p1 $0x1082;
	[sflag:s4] =	ssyncset.s32 $0xFFFFF086  }
0x25: {  	[simem:s6], [sflag:s4] =	dma.local [hbm:s3], $0xF7A  }
0x26: {  	[smem:$0x3F9E] =	sst s1;
	(tag) =	ssettag s2;
	_ =	strace s9  }
0x27: {  	s1 =	sld [smem:$0x3FAE]  }
0x28: {  	s2 =	sld [smem:$0x3FAF]  }
0x29: {  	s4 =	sld [smem:$0x3FB1]  }
0x2a: {  	p0 =	seq.s32 s5, $0x0;
	s5 =	sld [smem:$0x3FB2]  }
0x2b: {  	s6 =	sld [smem:$0x3FB3]  }
0x2c: {  	s7 =	sld [smem:$0x3FB4]  }
0x2d: {  	s3 =	simm.s32 $0x108;
	s8 =	sld [smem:$0x3FB5]  }
0x2e: {  	s3 =	simm.s32 @!p0 $0x1082;
	s9 =	sld [smem:$0x3FB6]  }
0x2f: {  	lr =	sadd.s32 s0, s3;
	s0 =	sld [smem:$0x3FAD]  }
0x30: {  	s3 =	sld [smem:$0x3FB0]  }
0x31: {  	[smem:$0x3FB9] =	sst s10  }
0x32: {  	s10 =	sld [smem:$0x3FB7];
	_ =	sdelay $0x3  }
0x33: {  	p0 =	seq.s32 s10, $0x1;
	s10 =	sld [smem:$0x3FB9];
	_ =	sdelay $0x3  }
0x34: {  	[smem:$0x3FB9] =	sst s10  }
0x35: {  	s10 =	sld [smem:$0x3FB8];
	_ =	sdelay $0x3  }
0x36: {  	p1 =	seq.s32 s10, $0x1;
	s10 =	sld [smem:$0x3FB9];
	_ =	sdelay $0x3  }
0x37: {  	[smem:$0x3FB9] =	sst s10  }
0x38: {  	s10 =	sld [smem:$0x3FBA]  }
0x39: {  	_ = 	snop;
	(pc) =	sbr.ind lr, $3  }
0x3a: {  	_ = 	snop  }
0x3b: {  	_ = 	snop  }
0x3c: {  	p2 =	seq.s32 s10, $0x1;
	s10 =	sld [smem:$0x3FB9]  }
0x3d: {  	_ =	shalt  }
0x3e: {  	_ =	shalt  }
0x3f: {  	_ =	shalt  }
0x40: {  	_ =	shalt  }
0x41: {  	_ =	shalt  }
0x42: {  	_ =	shalt  }
0x43: {  	_ =	shalt  }
0x44: {  	_ =	shalt  }
0x45: {  	_ =	shalt  }
0x46: {  	_ =	shalt  }
0x47: {  	_ =	shalt  }
0x48: {  	_ =	shalt  }
0x49: {  	_ =	shalt  }
0x4a: {  	_ =	shalt  }
0x4b: {  	_ =	shalt  }
0x4c: {  	_ =	shalt  }
0x4d: {  	_ =	shalt  }
0x4e: {  	_ =	shalt  }
0x4f: {  	_ =	shalt  }
0x50: {  	_ =	shalt  }
0x51: {  	_ =	shalt  }
0x52: {  	_ =	shalt  }
0x53: {  	_ =	shalt  }
0x54: {  	_ =	shalt  }
0x55: {  	_ =	shalt  }
0x56: {  	_ =	shalt  }
0x57: {  	_ =	shalt  }
0x58: {  	_ =	shalt  }
0x59: {  	_ =	shalt  }
0x5a: {  	_ =	shalt  }
0x5b: {  	_ =	shalt  }
0x5c: {  	_ =	shalt  }
0x5d: {  	_ =	shalt  }
0x5e: {  	_ =	shalt  }
0x5f: {  	_ =	shalt  }
0x60: {  	_ =	shalt  }
0x61: {  	_ =	shalt  }
0x62: {  	_ =	shalt  }
0x63: {  	_ =	shalt  }
0x64: {  	_ =	shalt  }
0x65: {  	_ =	shalt  }
0x66: {  	_ =	shalt  }
0x67: {  	_ =	shalt  }
0x68: {  	_ =	shalt  }
0x69: {  	_ =	shalt  }
0x6a: {  	_ =	shalt  }
0x6b: {  	_ =	shalt  }
0x6c: {  	_ =	shalt  }
0x6d: {  	_ =	shalt  }
0x6e: {  	_ =	shalt  }
0x6f: {  	_ =	shalt  }
0x70: {  	_ =	shalt  }
0x71: {  	_ =	shalt  }
0x72: {  	_ =	shalt  }
0x73: {  	_ =	shalt  }
0x74: {  	_ =	shalt  }
0x75: {  	_ =	shalt  }
0x76: {  	_ =	shalt  }
0x77: {  	_ =	shalt  }
0x78: {  	_ =	shalt  }
0x79: {  	_ =	shalt  }
0x7a: {  	_ =	shalt  }
0x7b: {  	_ =	shalt  }
0x7c: {  	_ =	shalt  }
0x7d: {  	_ =	shalt  }
0x7e: {  	_ =	shalt  }
0x7f: {  	_ =	shalt  }
0x80: {  	_ =	shalt  }
0x81: {  	_ =	shalt  }
0x82: {  	_ =	shalt  }
0x83: {  	_ =	shalt  }
0x84: {  	_ =	shalt  }
0x85: {  	_ =	shalt  }
0x86: {  	_ =	shalt  }
0x87: {  	_ =	shalt  }
.Lfunc_end0:
.L_simem_size_0:
called_computation_lowered:
.L_overlay_start_0:
0x88: {  	s2 =	sld [smem:$0x3FD9]  }
0x89: {  	s3 =	sld [smem:$0x3FFE];
	_ =	sdelay $0x1  }
0x8a: {  	s1 =	srdreg.scid  }
0x8b: {  	s0 =	sand.u32 $0x1, s1  }
0x8c: {  	s17 =	sshll.u32 s0, $0xA;
	s2 =	sadd.s32 s3, s2  }
0x8d: {  	s2 =	sadd.s32 s2, s17  }
0x8e: {  	[smem:$0x3FC5] =	sst s2  }
0x8f: {  	_ = 	snop  }
0x90: {  	s2 =	sld [smem:$0x3FC9]  }
0x91: {  	s18 =	sld [smem:$0x3FD0];
	(tm) =	ssettm $0x1  }
0x92: {  	s4 =	sld [smem:$0x3FFB];
	_ =	sdelay $0x3  }
0x93: {  	_ =	strace s4  }
0x94: {  	s4 =	sld [smem:$0x3FFC];
	_ =	sdelay $0x3  }
0x95: {  	_ =	strace s4  }
0x96: {  	s4 =	sld [smem:$0x3FFD];
	_ =	sdelay $0x3  }
0x97: {  	_ =	strace s4  }
0x98: {  	_ =	strace $0x8FFFFFFF  }
0x99: {  	s19 =	sld [smem:$0x3FDB];
	_ =	sdelay $0x1  }
0x9a: {  	s5 =	simm.s32 $_scs_section_size  }
0x9b: {  	s6 =	simm.s32 $_size__tile_overlayer_lowered;
	s7 =	simm.s32 $_tile_overlayer_lowered  }
0x9c: {  	s22 =	simm.s32 $0x1BFF;
	s21 =	sshll.u32 s7, $0x1;
	s4 =	sadd.s32 s5, s19  }
0x9d: {  	s8 =	simm.s32 $0x0;
	s20 =	sshll.u32 s6, $0x1;
	s6 =	sadd.s32 s21, s4  }
0x9e: {  	[timem:s8], [sflag:s22] =	dma.local [hbm:s6], s20  }
0x9f: {  	_ =	swait.ge [sflag:s22], s20  }
0xa0: {  	s5 =	ssub.s32 $0x0, s20;
	[sflag:s22] =	ssyncset.done $0x0  }
0xa1: {  	[sflag:s22] =	ssyncadd.s32 s5;
	_ =	sdelay $0x1  }
0xa2: {  	s23 =	simm.s32 $0x1B8B  }
0xa3: {  	_ =	swait.ge [sflag:s23], $0x1  }
0xa4: {  	[sflag:s23] =	ssyncset.done $0x0  }
0xa5: {  	s25 =	simm.s32 $0x1B8E;
	s24 =	sld [smem:$0x3FFE];
	[sflag:s23] =	ssyncadd.s32 $0xFFFFFFFF  }
0xa6: {  	s26 =	simm.s32 $execute0_lowered;
	[smem:$0x3FD2] =	sst s25  }
0xa7: {  	s6 =	sshll.u32 s26, $0x1;
	_ =	strace $0x80000046;
	[dreg:$0x1] =	wrdreg $0xFFFFFFFF  }
0xa8: {  	s28 =	simm.s32 $_size_execute0_lowered;
	s4 =	sadd.s32 s4, s6;
	[dreg:$0x0] =	wrdreg $0x0  }
0xa9: {  	s6 =	sshll.u32 s28, $0x1;
	[dreg:$0x2] =	wrdreg s4  }
0xaa: {  	[dreg:$0x3] =	wrdreg s6  }
0xab: {  	[dreg:$0x4] =	wrdreg $0xC0  }
0xac: {  	_ =	task [dreg:s8], $0x5FFFF  }
0xad: {  	[dreg:$0x1] =	wrdreg $0xFFFFFFFF  }
0xae: {  	[dreg:$0x0] =	wrdreg $0x60  }
0xaf: {  	[dreg:$0x2] =	wrdreg s2  }
0xb0: {  	[dreg:$0x3] =	wrdreg s18  }
0xb1: {  	[dreg:$0x4] =	wrdreg s24  }
0xb2: {  	[dreg:$0x5] =	wrdreg $0xB6000  }
0xb3: {  	[dreg:$0x6] =	wrdreg $0x9  }
0xb4: {  	_ =	task.clear_ibuf [dreg:s8], $0x7FFFF;
	_ =	strace $0x90000046  }
0xb5: {  	s29 =	simm.s32 $0x9;
	_ =	strace $0x80000048  }
0xb6: {  	_ =	swait.ge [sflag:s29], $0x1  }
0xb7: {  	[sflag:s29] =	ssyncadd.s32 $0xFFFFFFFF  }
0xb8: {  	_ =	strace $0x90000048  }
0xb9: {  	_ =	sfence  }
0xba: {  	s30 =	sld [smem:$0x0];
	_ =	sdelay $0x2  }
0xbb: {  	s31 =	sshll.u32 s1, $0xD;
	s1 =	sshrl.u32 s1, $0x2  }
0xbc: {  	s3 =	sand.u32 $0x4000, s31;
	s1 =	sadd.s32 s1, s30  }
0xbd: {  	s0 =	sor.u32 s3, s0;
	s1 =	sshll.u32 s1, $0x11  }
0xbe: {  	s0 =	sor.u32 s1, s0  }
0xbf: {  	s0 =	sadd.s32 $0x8F2B, s0  }
0xc0: {  	[sflag:s0] =	ssyncadd.remote.s32 $0x1  }
0xc1: {  	_ =	sfence.sel $0xFFFF  }
0xc2: {  	[dreg:$0x0] =	wrdreg $0xFFFFFFFF;
	(pc) =	sbr.abs _section_cstart, $3  }
0xc3: {  	[dreg:$0x1] =	wrdreg $0xFFFFFFFF  }
0xc4: {  	_ =	task.clear_ibuf [dreg:s8], $0x2FFFF;
	_ =	strace $0x9FFFFFFF  }
0xc5: {  	(tm) =	ssettm $0x7FFFFFFF  }
tec
execute0_lowered:
.L_overlay_start_1:
0x0: {  	(tag) =	ssettag $0x1  }
0x1: {  	s9 =	rddreg [dreg:$0x0]  }
0x2: {  	s0 =	srdreg.scid;
	s1 =	rddreg [dreg:$0x1]  }
0x3: {  	s26 =	stileid.u32;
	s2 =	rddreg [dreg:$0x2]  }
0x4: {  	s28 =	simm.s32 $0x5;
	s8 =	sand.u32 $0x1, s0;
	s5 =	smul.u32 $0x2800, s26  }
0x5: {  	s29 =	simm.s32 $0x3;
	s13 =	sor.u32 $0x10, s26;
	s12 =	smul.u32 $0x138800, s8  }
0x6: {  	s30 =	simm.s32 $0x6;
	s15 =	sor.u32 $0x20, s26;
	s14 =	smul.u32 $0x2800, s13  }
0x7: {  	s31 =	simm.s32 $0x0;
	s16 =	sor.u32 $0x30, s26;
	s18 =	smul.u32 $0x2800, s15  }
0x8: {  	s10 =	sadd.s32 $0x1000, s2;
	s7 =	sor.u32 $0x40, s26;
	s21 =	smul.u32 $0x2800, s16  }
0x9: {  	s0 =	sshll.u32 s8, $0x4;
	s19 =	ssub.s32 $0x2, s8;
	s23 =	smul.u32 $0x2800, s7  }
0xa: {  	s15 =	smul.u32 $0xA000, s15;
	s3 =	sor.u32 s26, s0;
	s4 =	sshrl.u32 s19, $0x1  }
0xb: {  	p0 =	sgt.u32 s26, $0xC;
	s11 =	smul.u32 $0x138800, s3;
	s0 =	ssub.s32 s19, s4  }
0xc: {  	s4 =	sor.u32 $0x50, s26;
	s24 =	sadd.s32 s12, s21;
	s21 =	smul.u32 $0x2980, s26  }
0xd: {  	s6 =	sadd.s32 s5, s12;
	s5 =	sor.u32 $0x60, s26;
	s25 =	smul.u32 $0x2800, s4  }
0xe: {  	s14 =	sadd.s32 s12, s14;
	s20 =	sadd.s32 s12, s18;
	s19 =	smul.u32 $0x2800, s5  }
0xf: {  	s17 =	sshrl.u32 s6, $0x3;
	s6 =	sor.u32 $0x70, s26;
	s4 =	smul.u32 $0xA000, s4  }
0x10: {  	s14 =	sshrl.u32 s14, $0x3;
	s22 =	sshrl.u32 s20, $0x3;
	s5 =	smul.u32 $0xA000, s5  }
0x11: {  	s0 =	smax.u32 s0, $0x1;
	s17 =	sadd.s32 s10, s17;
	s14 =	sadd.s32 s10, s14  }
0x12: {  	s20 =	smul.u32 $0x2800, s6;
	s11 =	sshrl.u32 s11, $0x3;
	[dreg:$0x5] =	wrdreg s17  }
0x13: {  	s6 =	smul.u32 $0xA000, s6;
	[dreg:$0x6] =	wrdreg s14;
	s14 =	sadd.s32 s10, s22  }
0x14: {  	s17 =	sadd.s32 s12, s23;
	s18 =	sadd.s32 s12, s25;
	s23 =	smul.u32 $0x27100, s3  }
0x15: {  	s19 =	sadd.s32 s12, s19;
	s25 =	smul.u32 $0xA000, s13;
	s13 =	rddreg [dreg:$0x3]  }
0x16: {  	s11 =	sadd.s32 s9, s11;
	[dreg:$0x7] =	wrdreg s14;
	s14 =	sshrl.u32 s24, $0x3  }
0x17: {  	s17 =	sshrl.u32 s17, $0x3;
	s12 =	sadd.s32 s12, s20;
	s20 =	smul.u32 $0x29800, s8  }
0x18: {  	s18 =	sshrl.u32 s18, $0x3;
	s8 =	smul.u32 $0x271000, s8;
	s14 =	sadd.s32 s10, s14  }
0x19: {  	s24 =	smul.u32 $0x27100, s26;
	s17 =	sadd.s32 s10, s17;
	[dreg:$0x8] =	wrdreg s14  }
0x1a: {  	s12 =	sshrl.u32 s12, $0x3;
	[dreg:$0x9] =	wrdreg s17;
	s17 =	sshrl.u32 s19, $0x3  }
0x1b: {  	s14 =	sadd.s32 s10, s18;
	s8 =	sadd.s32 s8, s9;
	s18 =	smul.u32 $0xA000, s26  }
0x1c: {  	[dreg:$0xa] =	wrdreg s14;
	s22 =	sadd.s32 s10, s17;
	s10 =	sadd.s32 s10, s12  }
0x1d: {  	s12 =	sadd.s32 s21, s20;
	s14 =	sadd.s32 s9, s23;
	s17 =	smul.u32 $0x2980, s3  }
0x1e: {  	s3 =	sshll.u32 s3, $0x4;
	s20 =	smul.u32 $0xA000, s16;
	[dreg:$0xb] =	wrdreg s22  }
0x1f: {  	s21 =	smul.u32 $0xA000, s7;
	s23 =	sshrl.u32 s25, $0x2;
	[dreg:$0xc] =	wrdreg s10  }
0x20: {  	s7 =	sadd.s32 $0xF00, s11;
	s10 =	simm.s32 $0x0;
	[dreg:$0xd] =	wrdreg s14  }
0x21: {  	s14 =	sadd.s32 s24, s8;
	s3 =	sadd.s32 s3, s2;
	s2 =	sadd.s32 $0xA00, s2  }
0x22: {  	s9 =	sadd.s32 s23, s13;
	s24 =	sshrl.u32 s15, $0x2;
	[smem:$0x7FF] =	sst s10  }
0x23: {  	s3 =	sadd.s32 $0x800, s3;
	_ =	strace $0x80000047;
	[dreg:$0xe] =	wrdreg s2  }
0x24: {  	s8 =	sadd.s32 $0x26E80, s11;
	s15 =	sadd.s32 $0x200, s12;
	[dreg:$0xf] =	wrdreg s3  }
0x25: {  	s19 =	sshrl.u32 s17, $0x3;
	s25 =	sshrl.u32 s20, $0x2;
	[dreg:$0x15] =	wrdreg s7  }
0x26: {  	s23 =	sadd.s32 s24, s13;
	s17 =	sadd.s32 $0x180, s12;
	[dreg:$0x16] =	wrdreg s8  }
0x27: {  	s16 =	sadd.s32 s1, s19;
	s2 =	sshrl.u32 s18, $0x2;
	[dreg:$0x17] =	wrdreg s0  }
0x28: {  	s3 =	sshrl.u32 s21, $0x2;
	s24 =	sadd.s32 s25, s13;
	[dreg:$0x18] =	wrdreg s17  }
0x29: {  	s7 =	simm.s32 $0x3E00;
	s8 =	simm.s32 $0x80;
	s17 =	simm.s32 $0x78  }
0x2a: {  	s22 =	sadd.s32 s2, s13;
	s25 =	sadd.s32 s3, s13;
	s3 =	sshrl.u32 s4, $0x2  }
0x2b: {  	s4 =	sshrl.u32 s5, $0x2;
	s5 =	sshrl.u32 s6, $0x2;
	s6 =	sadd.s32 $0x780, s11  }
0x2c: {  	s11 =	smov.u32 s9;
	s9 =	sadd.s32 $0x280, s12;
	s2 =	sshrl.u32 s15, $0x3  }
0x2d: {  	[dreg:$0x10] =	wrdreg s16;
	s26 =	sadd.s32 $0x20, s16;
	s12 =	simm.s32 $0x100  }
0x2e: {  	s15 =	simm.s32 $0x1;
	s18 =	sadd.s32 s3, s13;
	[dreg:$0x14] =	wrdreg s6  }
0x2f: {  	s19 =	sadd.s32 s4, s13;
	s21 =	sadd.s32 s2, s1;
	[dreg:$0x1c] =	wrdreg s26  }
0x30: {  	s4 =	smov.u32 s22;
	s22 =	sadd.s32 $0x10, s16;
	[dreg:$0x1a] =	wrdreg s21  }
.Ltmp0:
0x31: {  	s20 =	sadd.s32 s5, s13;
	[dreg:$0x1b] =	wrdreg s22;
	(pc) =	sbr.rel .LBB2_1-.Ltmp0, $4  }
0x32: {  	s0 =	sshrl.u32 s9, $0x3;
	s2 =	simm.s32 $0x180;
	[dreg:$0x11] =	wrdreg s18  }
0x33: {  	s5 =	simm.s32 $0x7;
	s6 =	simm.s32 $0x200;
	[dreg:$0x12] =	wrdreg s19  }
0x34: {  	s9 =	simm.s32 $0x7A00;
	s0 =	sadd.s32 s0, s1;
	[dreg:$0x13] =	wrdreg s20  }
0x35: {  	s16 =	simm.s32 $0x4;
	s26 =	simm.s32 $0x2;
	[dreg:$0x19] =	wrdreg s0  }
.LBB2_6:
0x36: {  	_ =	swait.ge [sflag:s26], $0x3C00  }
0x37: {  	[sflag:s26] =	ssyncset.done $0x0  }
0x38: {  	[sflag:s26] =	ssyncadd.s32 $0xFFFFC400  }
0x39: {  	_ =	swait.ge [sflag:s28], $0x80  }
0x3a: {  	[sflag:s28] =	ssyncset.done $0x0  }
0x3b: {  	[sflag:s28] =	ssyncadd.s32 $0xFFFFFF80  }
0x3c: {  	[spmem:s13] =	stream.indirect.scatter.add.f32 [tilespmem:s7], [sflag:$0x7], $0x80, s8, s17, $0xb8;
	[tilespmem:$0x1EE80] =	vst v63  }
0x3d: {  	_ =	swait.ge [sflag:s5], $0x3C00  }
0x3e: {  	[sflag:s5] =	ssyncset.done $0x0  }
0x3f: {  	[sflag:s5] =	ssyncadd.s32 $0xFFFFC400  }
.LBB2_4:
0x40: {  	s0 =	rddreg [dreg:$0x16]  }
0x41: {  	[tilespmem:s6], [sflag:$0x7] =	stream.linear.gather [hbm4b:s0+s10], $0x1400, $0x38;
	[tilespmem:$0x1EE80] =	vst v63  }
0x42: {  	_ =	swait.ge [sflag:s5], $0x1400  }
0x43: {  	[sflag:s5] =	ssyncset.done $0x0  }
0x44: {  	s18 =	simm.s32 $0x180;
	s2 =	simm.s32 $0x28;
	[sflag:s5] =	ssyncadd.s32 $0xFFFFEC00  }
0x45: {  	[spmem:s13] =	stream.indirect.scatter.add.f32 [tilespmem:s6], [sflag:$0x7], $0x80, s18, s2, $0xb8;
	[tilespmem:$0x1EE80] =	vst v63  }
0x46: {  	_ =	swait.ge [sflag:s5], $0x1400  }
0x47: {  	[sflag:s5] =	ssyncset.done $0x0  }
0x48: {  	s19 =	stileid.u32;
	[sflag:s5] =	ssyncadd.s32 $0xFFFFEC00  }
0x49: {  	s0 =	sshll.u32 s19, $0x6;
	[bflag:$0x0] =	sbarrier.arrive $0xFFFF  }
0x4a: {  	s20 =	sshrl.u32 s21, $0x3;
	s0 =	sor.u32 $0x1C07, s0;
	s3 =	rddreg [dreg:$0x5]  }
0x4b: {  	[hbm:s3], [sflag:s0] =	dma.local [spmem:s20], $0x500  }
0x4c: {  	_ =	swait.ge [sflag:s5], $0x500  }
0x4d: {  	s4 =	smov.u32 s21;
	s11 =	smov.u32 s22;
	[sflag:s5] =	ssyncset.done $0x0  }
0x4e: {  	s21 =	sshrl.u32 s22, $0x3;
	s22 =	rddreg [dreg:$0x6];
	[sflag:s5] =	ssyncadd.s32 $0xFFFFFB00  }
0x4f: {  	[hbm:s22], [sflag:s0] =	dma.local [spmem:s21], $0x500  }
0x50: {  	_ =	swait.ge [sflag:s5], $0x500  }
0x51: {  	[sflag:s5] =	ssyncset.done $0x0  }
0x52: {  	s3 =	sshrl.u32 s23, $0x3;
	s18 =	rddreg [dreg:$0x7];
	[sflag:s5] =	ssyncadd.s32 $0xFFFFFB00  }
0x53: {  	[hbm:s18], [sflag:s0] =	dma.local [spmem:s3], $0x500  }
0x54: {  	_ =	swait.ge [sflag:s5], $0x500  }
0x55: {  	[sflag:s5] =	ssyncset.done $0x0  }
0x56: {  	s19 =	sshrl.u32 s24, $0x3;
	s20 =	rddreg [dreg:$0x8];
	[sflag:s5] =	ssyncadd.s32 $0xFFFFFB00  }
0x57: {  	[hbm:s20], [sflag:s0] =	dma.local [spmem:s19], $0x500  }
0x58: {  	_ =	swait.ge [sflag:s5], $0x500  }
0x59: {  	[sflag:s5] =	ssyncset.done $0x0  }
0x5a: {  	s21 =	sshrl.u32 s25, $0x3;
	s22 =	rddreg [dreg:$0x9];
	[sflag:s5] =	ssyncadd.s32 $0xFFFFFB00  }
0x5b: {  	[hbm:s22], [sflag:s0] =	dma.local [spmem:s21], $0x500  }
0x5c: {  	_ =	swait.ge [sflag:s5], $0x500  }
0x5d: {  	[sflag:s5] =	ssyncset.done $0x0;
	s18 =	rddreg [dreg:$0x11]  }
0x5e: {  	s19 =	rddreg [dreg:$0xa];
	[sflag:s5] =	ssyncadd.s32 $0xFFFFFB00;
	s3 =	sshrl.u32 s18, $0x3  }
0x5f: {  	[hbm:s19], [sflag:s0] =	dma.local [spmem:s3], $0x500  }
0x60: {  	_ =	swait.ge [sflag:s5], $0x500  }
0x61: {  	[sflag:s5] =	ssyncset.done $0x0;
	s19 =	rddreg [dreg:$0x12]  }
0x62: {  	s21 =	rddreg [dreg:$0xb];
	[sflag:s5] =	ssyncadd.s32 $0xFFFFFB00;
	s20 =	sshrl.u32 s19, $0x3  }
0x63: {  	[hbm:s21], [sflag:s0] =	dma.local [spmem:s20], $0x500  }
0x64: {  	_ =	swait.ge [sflag:s5], $0x500  }
0x65: {  	[sflag:s5] =	ssyncset.done $0x0;
	s20 =	rddreg [dreg:$0x13]  }
0x66: {  	s3 =	rddreg [dreg:$0xc];
	[sflag:s5] =	ssyncadd.s32 $0xFFFFFB00;
	s2 =	sshrl.u32 @!p0 s20, $0x3  }
0x67: {  	[hbm:s3], [sflag:s0] =	dma.local @!p0 [spmem:s2], $0x500  }
0x68: {  	s0 =	simm.s32 @!p0 $0x7  }
0x69: {  	_ =	swait.ge @!p0 [sflag:s0], $0x500  }
0x6a: {  	s31 =	sadd.s32 $0x1, s31;
	s22 =	rddreg [dreg:$0x17]  }
0x6b: {  	p1 =	sne.s32 s31, s22  }
.Ltmp1:
0x6c: {  	_ = 	snop;
	(pc) =	sbr.rel @!p1 .LBB2_5-.Ltmp1, $3  }
0x6d: {  	_ =	sdelay $0x1  }
0x6e: {  	[sflag:s0] =	ssyncset.done @!p0 $0x0  }
0x6f: {  	s2 =	simm.s32 $0x180;
	[sflag:s0] =	ssyncadd.s32 @!p0 $0xFFFFFB00  }
.LBB2_1:
0x70: {  	s0 =	rddreg [dreg:$0xf]  }
0x71: {  	[tilespmem:s2], [sflag:$0x7] =	stream.linear.gather [hbm4b:s0+s10], $0x80, $0x38;
	[tilespmem:$0x1EE80] =	vst v63  }
0x72: {  	_ =	swait.ge [sflag:s5], $0x80  }
0x73: {  	[sflag:s5] =	ssyncset.done $0x0  }
0x74: {  	s3 =	rddreg [dreg:$0xe];
	[sflag:s5] =	ssyncadd.s32 $0xFFFFFF80  }
0x75: {  	[tilespmem:s6], [sflag:$0x7] =	stream.linear.gather [hbm4b:s3+s10], $0x2800, $0x38;
	[tilespmem:$0x1EE80] =	vst v63  }
0x76: {  	_ =	swait.ge [sflag:s5], $0x2800  }
0x77: {  	[sflag:s5] =	ssyncset.done $0x0  }
0x78: {  	s21 =	rddreg [dreg:$0x14];
	[sflag:s5] =	ssyncadd.s32 $0xFFFFD800  }
0x79: {  	[tilespmem:s7], [sflag:$0x2] =	stream.linear.gather [hbm4b:s21+s10], $0x3C00, $0x38;
	[tilespmem:$0x1EE80] =	vst v63  }
0x7a: {  	s22 =	rddreg [dreg:$0x1b]  }
0x7b: {  	[tilespmem:s8], [sflag:$0x5] =	stream.linear.gather [hbm4b:s22+s10], $0x80, $0x38;
	[tilespmem:$0x1EE80] =	vst v63  }
0x7c: {  	s2 =	rddreg [dreg:$0x15]  }
0x7d: {  	[tilespmem:s9], [sflag:$0x3] =	stream.linear.gather [hbm4b:s2+s10], $0x3C00, $0x38;
	[tilespmem:$0x1EE80] =	vst v63  }
0x7e: {  	s3 =	rddreg [dreg:$0x1c]  }
0x7f: {  	[tilespmem:s12], [sflag:$0x6] =	stream.linear.gather [hbm4b:s3+s10], $0x80, $0x38;
	[tilespmem:$0x1EE80] =	vst v63  }
0x80: {  	_ = 	snop  }
0x81: {  	[spmem:s4] =	stream.linear.scatter [tilespmem:s6], [sflag:$0x7], $0x2800, $0x38;
	[tilespmem:$0x1EE80] =	vst v63  }
0x82: {  	_ =	swait.ge [sflag:s5], $0x2800  }
0x83: {  	[sflag:s5] =	ssyncset.done $0x0  }
0x84: {  	[sflag:s5] =	ssyncadd.s32 $0xFFFFD800  }
0x85: {  	[spmem:s11] =	stream.linear.scatter [tilespmem:s6], [sflag:$0x7], $0x2800, $0x38;
	[tilespmem:$0x1EE80] =	vst v63  }
0x86: {  	_ =	swait.ge [sflag:s5], $0x2800  }
0x87: {  	[sflag:s5] =	ssyncset.done $0x0  }
0x88: {  	[sflag:s5] =	ssyncadd.s32 $0xFFFFD800  }
0x89: {  	[spmem:s23] =	stream.linear.scatter [tilespmem:s6], [sflag:$0x7], $0x2800, $0x38;
	[tilespmem:$0x1EE80] =	vst v63  }
0x8a: {  	_ =	swait.ge [sflag:s5], $0x2800  }
0x8b: {  	[sflag:s5] =	ssyncset.done $0x0  }
0x8c: {  	[sflag:s5] =	ssyncadd.s32 $0xFFFFD800  }
0x8d: {  	[spmem:s24] =	stream.linear.scatter [tilespmem:s6], [sflag:$0x7], $0x2800, $0x38;
	[tilespmem:$0x1EE80] =	vst v63  }
0x8e: {  	_ =	swait.ge [sflag:s5], $0x2800  }
0x8f: {  	[sflag:s5] =	ssyncset.done $0x0  }
0x90: {  	[sflag:s5] =	ssyncadd.s32 $0xFFFFD800  }
0x91: {  	[spmem:s25] =	stream.linear.scatter [tilespmem:s6], [sflag:$0x7], $0x2800, $0x38;
	[tilespmem:$0x1EE80] =	vst v63  }
0x92: {  	_ =	swait.ge [sflag:s5], $0x2800  }
0x93: {  	[sflag:s5] =	ssyncset.done $0x0  }
0x94: {  	[sflag:s5] =	ssyncadd.s32 $0xFFFFD800  }
0x95: {  	[spmem:s18] =	stream.linear.scatter [tilespmem:s6], [sflag:$0x7], $0x2800, $0x38;
	[tilespmem:$0x1EE80] =	vst v63  }
0x96: {  	_ =	swait.ge [sflag:s5], $0x2800  }
0x97: {  	[sflag:s5] =	ssyncset.done $0x0  }
0x98: {  	[sflag:s5] =	ssyncadd.s32 $0xFFFFD800  }
0x99: {  	[spmem:s19] =	stream.linear.scatter [tilespmem:s6], [sflag:$0x7], $0x2800, $0x38;
	[tilespmem:$0x1EE80] =	vst v63  }
0x9a: {  	_ =	swait.ge [sflag:s5], $0x2800  }
0x9b: {  	[sflag:s5] =	ssyncset.done $0x0  }
0x9c: {  	s0 =	simm.s32 @!p0 $0x200;
	[sflag:s5] =	ssyncadd.s32 $0xFFFFD800  }
0x9d: {  	[spmem:s20] =	stream.linear.scatter @!p0 [tilespmem:s0], [sflag:$0x7], $0x2800, $0x38;
	[tilespmem:$0x1EE80] =	vst v63  }
0x9e: {  	s0 =	simm.s32 @!p0 $0x7  }
0x9f: {  	_ =	swait.ge @!p0 [sflag:s0], $0x2800  }
0xa0: {  	[sflag:s0] =	ssyncset.done @!p0 $0x0  }
0xa1: {  	[sflag:s0] =	ssyncadd.s32 @!p0 $0xFFFFD800  }
0xa2: {  	[bflag:$0x0] =	sbarrier.arrive $0xFFFF  }
0xa3: {  	s19 =	rddreg [dreg:$0xd]  }
0xa4: {  	s20 =	rddreg [dreg:$0x10]  }
0xa5: {  	s0 =	rddreg [dreg:$0x1a]  }
0xa6: {  	s21 =	smov.u32 s4;
	s22 =	smov.u32 s11;
	s11 =	rddreg [dreg:$0x19]  }
0xa7: {  	[tilespmem:s6], [sflag:$0x1] =	stream.linear.gather [hbm4b:s19+s10], $0x3C00, $0x38;
	[tilespmem:$0x1EE80] =	vst v63  }
0xa8: {  	s3 =	simm.s32 $0x0;
	s4 =	simm.s32 $0x0;
	s2 =	rddreg [dreg:$0x18]  }
0xa9: {  	[tilespmem:s10], [sflag:$0x4] =	stream.linear.gather [hbm4b:s20+s10], $0x80, $0x38;
	[tilespmem:$0x1EE80] =	vst v63  }
.LBB2_2:
0xaa: {  	_ =	swait.ge [sflag:s15], $0x3C00  }
0xab: {  	[sflag:s15] =	ssyncset.done $0x0  }
0xac: {  	[sflag:s15] =	ssyncadd.s32 $0xFFFFC400  }
0xad: {  	_ =	swait.ge [sflag:s16], $0x80  }
0xae: {  	p1 =	seq.s32 s4, $0x25F80;
	[sflag:s16] =	ssyncset.done $0x0  }
.Ltmp2:
0xaf: {  	[sflag:s16] =	ssyncadd.s32 $0xFFFFFF80;
	(pc) =	sbr.rel @p1 .LBB2_6-.Ltmp2, $4  }
0xb0: {  	[spmem:s13] =	stream.indirect.scatter.add.f32 [tilespmem:s6], [sflag:$0x7], $0x80, s10, s17, $0xb8;
	[tilespmem:$0x1EE80] =	vst v63  }
0xb1: {  	_ =	swait.ge [sflag:s5], $0x3C00  }
0xb2: {  	[sflag:s5] =	ssyncset.done $0x0  }
0xb3: {  	[sflag:s5] =	ssyncadd.s32 $0xFFFFC400  }
0xb4: {  	s18 =	sadd.s32 s4, s14  }
0xb5: {  	s20 =	sshrl.u32 s2, $0x3;
	s19 =	sadd.s32 $0x1680, s18  }
0xb6: {  	[tilespmem:s6], [sflag:$0x1] =	stream.linear.gather [hbm4b:s19+s10], $0x3C00, $0x38;
	[tilespmem:$0x1EE80] =	vst v63  }
0xb7: {  	s19 =	sadd.s32 s1, s20  }
0xb8: {  	[tilespmem:s10], [sflag:$0x4] =	stream.linear.gather [hbm4b:s19+s10], $0x80, $0x38;
	[tilespmem:$0x1EE80] =	vst v63  }
0xb9: {  	_ =	swait.ge [sflag:s26], $0x3C00  }
0xba: {  	[sflag:s26] =	ssyncset.done $0x0  }
0xbb: {  	[sflag:s26] =	ssyncadd.s32 $0xFFFFC400  }
0xbc: {  	_ =	swait.ge [sflag:s28], $0x80  }
0xbd: {  	[sflag:s28] =	ssyncset.done $0x0  }
0xbe: {  	[sflag:s28] =	ssyncadd.s32 $0xFFFFFF80  }
0xbf: {  	[spmem:s13] =	stream.indirect.scatter.add.f32 [tilespmem:s7], [sflag:$0x7], $0x80, s8, s17, $0xb8;
	[tilespmem:$0x1EE80] =	vst v63  }
0xc0: {  	_ =	swait.ge [sflag:s5], $0x3C00  }
0xc1: {  	[sflag:s5] =	ssyncset.done $0x0  }
0xc2: {  	s18 =	sadd.s32 $0x1E00, s18;
	[sflag:s5] =	ssyncadd.s32 $0xFFFFC400  }
0xc3: {  	[tilespmem:s7], [sflag:$0x2] =	stream.linear.gather [hbm4b:s18+s10], $0x3C00, $0x38;
	[tilespmem:$0x1EE80] =	vst v63  }
0xc4: {  	_ = 	snop  }
0xc5: {  	[tilespmem:s8], [sflag:$0x5] =	stream.linear.gather [hbm4b:s0+s10], $0x80, $0x38;
	[tilespmem:$0x1EE80] =	vst v63  }
0xc6: {  	_ =	swait.ge [sflag:s29], $0x3C00  }
0xc7: {  	[sflag:s29] =	ssyncset.done $0x0  }
0xc8: {  	[sflag:s29] =	ssyncadd.s32 $0xFFFFC400  }
0xc9: {  	_ =	swait.ge [sflag:s30], $0x80  }
0xca: {  	[sflag:s30] =	ssyncset.done $0x0  }
0xcb: {  	[sflag:s30] =	ssyncadd.s32 $0xFFFFFF80  }
0xcc: {  	[spmem:s13] =	stream.indirect.scatter.add.f32 [tilespmem:s9], [sflag:$0x7], $0x80, s12, s17, $0xb8;
	[tilespmem:$0x1EE80] =	vst v63  }
0xcd: {  	p1 =	sgt.u32 s3, $0x19;
	_ =	swait.ge [sflag:s5], $0x3C00  }
0xce: {  	s20 =	simm.s32 @!p1 $0x7A00;
	s18 =	sadd.s32 @!p1 s4, s14;
	[sflag:s5] =	ssyncset.done $0x0  }
0xcf: {  	s19 =	simm.s32 @!p1 $0x0;
	s18 =	sadd.s32 @!p1 $0x2580, s18;
	[sflag:s5] =	ssyncadd.s32 $0xFFFFC400  }
0xd0: {  	[tilespmem:s20], [sflag:$0x3] =	stream.linear.gather @!p1 [hbm4b:s18+s19], $0x3C00, $0x38;
	[tilespmem:$0x1EE80] =	vst v63  }
0xd1: {  	s4 =	sadd.s32 $0x1680, s4;
	s18 =	simm.s32 @!p1 $0x100  }
0xd2: {  	[tilespmem:s18], [sflag:$0x6] =	stream.linear.gather @!p1 [hbm4b:s11+s19], $0x80, $0x38;
	[tilespmem:$0x1EE80] =	vst v63  }
0xd3: {  	p1 =	sne.s32 s4, $0x27600  }
.Ltmp3:
0xd4: {  	_ = 	snop;
	(pc) =	sbr.rel @p1 .LBB2_2-.Ltmp3, $4  }
.Ltmp4:
0xd5: {  	_ = 	snop;
	(pc) =	sbr.rel @!p1 .LBB2_4-.Ltmp4, $4  }
0xd6: {  	_ = 	snop  }
0xd7: {  	s3 =	sadd.s32 $0x1, s3  }
0xd8: {  	s2 =	sadd.s32 $0x180, s2;
	s0 =	sadd.s32 $0x30, s0;
	s11 =	sadd.s32 $0x30, s11  }
0xd9: {  	_ = 	snop  }
.LBB2_5:
0xda: {  	_ =	sfence.sel $0x180000  }
0xdb: {  	[bflag:$0x0] =	sbarrier.arrive $0xFFFF  }
0xdc: {  	_ =	strace $0x90000047  }
0xdd: {  	s0 =	stileid.u32;
	[bflag:$0x2] =	sbarrier.arrive $0xFFFF  }
0xde: {  	p0 =	sne.s32 s0, $0x0;
	s0 =	rddreg [dreg:$0x4]  }
0xdf: {  	s0 =	sadd.s32 @!p0 $0x100000, s0  }
0xe0: {  	[sflag:s0] =	ssyncadd.tile.s32 @!p0 $0x1;
	_ =	shalt  }
.Lfunc_end2:
_tile_overlayer_lowered:
.L_overlay_start_2:
0xe1: {  	(tag) =	ssettag $0x2  }
0xe2: {  	s0 =	rddreg [dreg:$0x0];
	s2 =	stileid.u32  }
0xe3: {  	s1 =	rddreg [dreg:$0x1];
	p0 =	sne.s32 s2, $0x0  }
0xe4: {  	s3 =	rddreg [dreg:$0x2];
	[bflag:$0x3] =	sbarrier.arrive $0xFFFF;
	s2 =	simm.s32 @!p0 $0x1C07  }
0xe5: {  	[timem:s3], [sflag:s2] =	dma.local @!p0 [hbm:s0], s1  }
0xe6: {  	s0 =	simm.s32 @!p0 $0x7  }
0xe7: {  	_ =	swait.ge @!p0 [sflag:s0], s1  }
0xe8: {  	s1 =	ssub.s32 @!p0 $0x0, s1;
	[sflag:s0] =	ssyncset.done @!p0 $0x0  }
0xe9: {  	[sflag:s0] =	ssyncadd.s32 @!p0 s1  }
0xea: {  	[bflag:$0x3] =	sbarrier.arrive $0xFFFF  }
0xeb: {  	_ =	shalt  }

</sc_bundles>
